<compile_context>
chip_gen: v7x
topology: tpu7x:2x2x1
jax: 0.10.2.dev20260603
libtpu: 0.0.44.dev20260713+nightly
codegen_flags: <defaults>
</compile_context>

<pallas_src>
import functools

import jax
import jax.numpy as jnp
import numpy as np
from jax import lax
from jax.experimental import pallas as pl
from jax.experimental.pallas import tpu as pltpu
from jax.experimental.pallas import tpu_sc as plsc



def _add_body(m_ref, r_ref, o_ref):
    o_ref[...] = m_ref[...] + r_ref[...]


def _combined_feat(memory_state, node_raw_features):
    n, d = memory_state.shape
    blk = 2000
    assert n % blk == 0
    return pl.pallas_call(
        _add_body,
        grid=(n // blk,),
        in_specs=[pl.BlockSpec((blk, d), lambda i: (i, 0)),
                  pl.BlockSpec((blk, d), lambda i: (i, 0))],
        out_specs=pl.BlockSpec((blk, d), lambda i: (i, 0)),
        out_shape=jax.ShapeDtypeStruct((n, d), jnp.float32),
    )(memory_state, node_raw_features)



_SEG_ROWS = 131072


def _repack_body(e_cnt, blk, *refs):
    eye_ref = refs[-2]
    out_ref = refs[-1]
    de = refs[0].shape[0]
    i = pl.program_id(0)
    acc = None
    for s, r in enumerate(refs[:-2]):
        x = r[...]
        seg_end = (s + 1) * _SEG_ROWS
        if seg_end > e_cnt:
            col = (s * _SEG_ROWS + i * blk
                   + lax.broadcasted_iota(jnp.int32, (de, blk), 1))
            x = jnp.where(col < e_cnt, x, 0.0)
        part = lax.dot_general(x, eye_ref[s * de:(s + 1) * de, :],
                               (((0,), (0,)), ((), ())),
                               preferred_element_type=jnp.float32)
        acc = part if acc is None else acc + part
    out_ref[...] = acc


def _repack_edges(edge_raw):
    e_cnt, de = edge_raw.shape
    pack = 128 // de
    n_seg = -(-e_cnt // _SEG_ROWS)
    assert n_seg <= pack
    blk = 1024
    assert e_cnt % blk == 0
    nblk = _SEG_ROWS // blk
    er_t = edge_raw.T
    in_specs = [pl.BlockSpec((de, blk), (lambda i, s=s: (0, s * nblk + i)))
                for s in range(n_seg)]
    w = pack * de
    in_specs.append(pl.BlockSpec((w, w), lambda i: (0, 0)))
    return pl.pallas_call(
        functools.partial(_repack_body, e_cnt, blk),
        grid=(nblk,),
        in_specs=in_specs,
        out_specs=pl.BlockSpec((blk, w), lambda i: (i, 0)),
        out_shape=jax.ShapeDtypeStruct((_SEG_ROWS, w), jnp.float32),
    )(*([er_t] * n_seg + [jnp.eye(w, dtype=jnp.float32)]))



def _sc_gather_all(nodes, neighbors, ngh_e_tab, ngh_t_tab, feat, er_big):
    b = nodes.shape[0]
    info = plsc.get_sparse_core_info()
    nc, ns = info.num_cores, info.num_subcores
    nw = nc * ns
    assert b % nw == 0
    bw = b // nw
    k = neighbors.shape[1]
    d = feat.shape[1]
    dbig = er_big.shape[1]
    ch = k
    nch = bw
    nbuf = 6
    look = 4
    assert nch % nbuf == 0
    assert k % 16 == 0
    mesh = plsc.VectorSubcoreMesh(core_axis_name="c", subcore_axis_name="s")
    f32 = jnp.float32
    i32 = jnp.int32

    @functools.partial(
        pl.kernel,
        mesh=mesh,
        out_type=(jax.ShapeDtypeStruct((b, k), f32),
                  jax.ShapeDtypeStruct((b, k), i32),
                  jax.ShapeDtypeStruct((b, d), f32),
                  jax.ShapeDtypeStruct((b * k, d), f32),
                  jax.ShapeDtypeStruct((b * k, dbig), f32)),
        scratch_types=[pltpu.VMEM((bw,), i32),
                       pltpu.VMEM((bw, k), i32),
                       pltpu.VMEM((bw, k), i32),
                       pltpu.VMEM((bw, k), i32),
                       pltpu.VMEM((bw, k), f32),
                       pltpu.VMEM((bw, d), f32)]
                      + [pltpu.VMEM((ch, d), f32)] * nbuf
                      + [pltpu.VMEM((ch, dbig), f32)] * nbuf
                      + [pltpu.SemaphoreType.DMA] * (2 * nbuf + 1),
        compiler_params=pltpu.CompilerParams(use_tc_tiling_on_sc=False),
    )
    def gather(nodes_h, ngh_h, nghe_h, nght_h, feat_h, er_h,
               nght_o, nghe_o, src_o, nf_o, ef_o,
               idx_v, n_v, e_v, es_v, t_v, s_v, *bufs):
        rows = bufs[0:nbuf]
        erows = bufs[nbuf:2 * nbuf]
        in_sem = bufs[2 * nbuf:3 * nbuf]
        out_sem = bufs[3 * nbuf:4 * nbuf]
        sem0 = bufs[4 * nbuf]
        wid = lax.axis_index("s") * nc + lax.axis_index("c")
        base = wid * bw

        pltpu.sync_copy(nodes_h.at[pl.ds(base, bw)], idx_v)
        c1 = pltpu.async_copy(ngh_h.at[idx_v], n_v, sem0)
        c2 = pltpu.async_copy(nghe_h.at[idx_v], e_v, sem0)
        c3 = pltpu.async_copy(nght_h.at[idx_v], t_v, sem0)
        c4 = pltpu.async_copy(feat_h.at[idx_v], s_v, sem0)
        c1.wait()
        c2.wait()
        c3.wait()
        c4.wait()

        def shift_row(r, carry):
            for j in range(k // 16):
                sl = pl.ds(j * 16, 16)
                es_v[r, sl] = lax.bitwise_and(e_v[r, sl], _SEG_ROWS - 1)
            return carry

        lax.fori_loop(0, bw, shift_row, 0)

        pltpu.sync_copy(t_v, nght_o.at[pl.ds(base, bw)])
        pltpu.sync_copy(e_v, nghe_o.at[pl.ds(base, bw)])
        pltpu.sync_copy(s_v, src_o.at[pl.ds(base, bw)])

        def fire_in(s, c):
            pltpu.async_copy(feat_h.at[n_v.at[c]], rows[s], in_sem[s])
            pltpu.async_copy(er_h.at[es_v.at[c]], erows[s], in_sem[s])

        def wait_in(s):
            pltpu.make_async_copy(feat_h.at[n_v.at[0]], rows[s],
                                  in_sem[s]).wait()
            pltpu.make_async_copy(er_h.at[es_v.at[0]], erows[s],
                                  in_sem[s]).wait()

        def fire_out(s, c):
            off = (base + c) * k
            pltpu.async_copy(rows[s], nf_o.at[pl.ds(off, ch)], out_sem[s])
            pltpu.async_copy(erows[s], ef_o.at[pl.ds(off, ch)], out_sem[s])

        def wait_out(s):
            pltpu.make_async_copy(rows[s], nf_o.at[pl.ds(0, ch)],
                                  out_sem[s]).wait()
            pltpu.make_async_copy(erows[s], ef_o.at[pl.ds(0, ch)],
                                  out_sem[s]).wait()

        for c0 in range(look):
            fire_in(c0, c0)

        def outer(g, carry):
            for s in range(nbuf):
                c = g * nbuf + s
                wait_in(s)
                fire_out(s, c)
                c2 = c + look
                s2 = (s + look) % nbuf

                @pl.when(c2 < nch)
                def _():
                    @pl.when(c2 >= nbuf)
                    def _():
                        wait_out(s2)
                    fire_in(s2, c2)
            return carry

        lax.fori_loop(0, nch // nbuf, outer, 0)
        for s in range(nbuf):
            wait_out(s)

    return gather(nodes, neighbors, ngh_e_tab, ngh_t_tab, feat, er_big)



_INV_2PI = 0.15915494309189535
_PI_HI = 6.28125
_PI_LO = 0.0019353071795864769


def _cos(x):
    f32 = jnp.float32
    kf = jnp.round(x * f32(_INV_2PI))
    r = x - kf * f32(_PI_HI)
    r = r - kf * f32(_PI_LO)
    z = r * r
    p = f32(-1.0 / 87178291200.0)
    for coef in (1.0 / 479001600.0, -1.0 / 3628800.0, 1.0 / 40320.0,
                 -1.0 / 720.0, 1.0 / 24.0, -0.5, 1.0):
        p = p * z + f32(coef)
    return p


def _dense_body(src_ref, nf_ref, ef_ref, nghe_ref, ts_ref, nt_ref,
                tw_ref, tb_ref,
                wqn_ref, wqt_ref, wkn_ref, wkeb_ref, wkt_ref,
                wvn_ref, wveb_ref, wvt_ref, wm1a_ref, wm1b_ref, wm2_ref,
                out_ref):
    bq, d = src_ref.shape
    k = nt_ref.shape[1]
    dh = d // 2
    f32 = jnp.float32

    def mm(a, b):
        return lax.dot_general(a, b, (((1,), (0,)), ((), ())),
                               preferred_element_type=f32)

    src = src_ref[...]
    tw = tw_ref[...]
    tb = tb_ref[...]
    delta = ts_ref[...] - nt_ref[...]
    t_enc = _cos(delta[:, :, None] * tw[None, :, :] + tb[None, :, :])
    t2 = t_enc.reshape(bq * k, d)

    seg = nghe_ref[...] // _SEG_ROWS
    lane = lax.broadcasted_iota(jnp.int32, (1, 1, d), 2) >> 4
    ef3 = ef_ref[...].reshape(bq, k, d)
    efm = jnp.where(lane == seg[:, :, None], ef3, 0.0).reshape(bq * k, d)

    nf = nf_ref[...]
    kk = mm(nf, wkn_ref[...]) + mm(efm, wkeb_ref[...]) + mm(t2, wkt_ref[...])
    vv = mm(nf, wvn_ref[...]) + mm(efm, wveb_ref[...]) + mm(t2, wvt_ref[...])

    qt = _cos(tb)
    q = mm(src, wqn_ref[...]) + mm(qt, wqt_ref[...])

    k3 = kk.reshape(bq, k, d)
    prod = k3 * q[:, None, :]
    scale = f32(1.0 / np.sqrt(dh))
    s0 = jnp.sum(prod[:, :, :dh], axis=-1) * scale
    s1 = jnp.sum(prod[:, :, dh:], axis=-1) * scale

    def softmax(s):
        m = jnp.max(s, axis=-1, keepdims=True)
        e = jnp.exp(s - m)
        return e / jnp.sum(e, axis=-1, keepdims=True)

    a0 = softmax(s0)
    a1 = softmax(s1)
    v3 = vv.reshape(bq, k, d)
    o0 = jnp.sum(a0[:, :, None] * v3[:, :, :dh], axis=1)
    o1 = jnp.sum(a1[:, :, None] * v3[:, :, dh:], axis=1)
    out = jnp.concatenate([o0, o1], axis=-1)

    hmid = jnp.maximum(mm(out, wm1a_ref[...]) + mm(src, wm1b_ref[...]), 0.0)
    out_ref[...] = mm(hmid, wm2_ref[...])


def _dense(src_feat, nf, ef, nghe, ts2, ngh_t, tw2, tb2,
           wqn, wqt, wkn, wkeb, wkt, wvn, wveb, wvt, wm1a, wm1b, wm2):
    b3, d = src_feat.shape
    k = ngh_t.shape[1]
    bq = 128
    assert b3 % bq == 0
    grid = (b3 // bq,)
    full = lambda shape: pl.BlockSpec(shape, lambda i: tuple(0 for _ in shape))
    return pl.pallas_call(
        _dense_body,
        grid=grid,
        in_specs=[
            pl.BlockSpec((bq, d), lambda i: (i, 0)),
            pl.BlockSpec((bq * k, d), lambda i: (i, 0)),
            pl.BlockSpec((bq * k, d), lambda i: (i, 0)),
            pl.BlockSpec((bq, k), lambda i: (i, 0)),
            pl.BlockSpec((bq, 1), lambda i: (i, 0)),
            pl.BlockSpec((bq, k), lambda i: (i, 0)),
            full((1, d)), full((1, d)),
            full((d, d)), full((d, d)),
            full((d, d)), full((d, d)), full((d, d)),
            full((d, d)), full((d, d)), full((d, d)),
            full((d, d)), full((d, d)), full((d, d)),
        ],
        out_specs=pl.BlockSpec((bq, d), lambda i: (i, 0)),
        out_shape=jax.ShapeDtypeStruct((b3, d), jnp.float32),
    )(src_feat, nf, ef, nghe, ts2, ngh_t, tw2, tb2,
      wqn, wqt, wkn, wkeb, wkt, wvn, wveb, wvt, wm1a, wm1b, wm2)



def kernel(source_nodes, destination_nodes, negative_nodes, edge_times,
           edge_idxs, node_raw_features, edge_raw_features, memory_state,
           neighbors, neighbor_edge_idxs, neighbor_times,
           time_w, time_b, W_q, W_k, W_v, W_m1, W_m2):
    del edge_idxs
    d = node_raw_features.shape[1]
    de = edge_raw_features.shape[1]
    e_cnt = edge_raw_features.shape[0]
    pack = 128 // de
    assert e_cnt % pack == 0

    nodes = jnp.concatenate(
        [source_nodes, destination_nodes, negative_nodes]).astype(jnp.int32)
    ts = jnp.concatenate([edge_times, edge_times, edge_times])
    er_big = _repack_edges(edge_raw_features)

    feat = _combined_feat(memory_state, node_raw_features)

    ngh_t, ngh_e, src_feat, nf, ef = _sc_gather_all(
        nodes, neighbors, neighbor_edge_idxs, neighbor_times, feat, er_big)

    tw2 = time_w.reshape(1, d)
    tb2 = time_b.reshape(1, d)
    wqn, wqt = W_q[:d], W_q[d:]
    wkn, wke, wkt = W_k[:d], W_k[d:d + de], W_k[d + de:]
    wvn, wve, wvt = W_v[:d], W_v[d:d + de], W_v[d + de:]
    wkeb = jnp.tile(wke, (pack, 1))
    wveb = jnp.tile(wve, (pack, 1))
    wm1a, wm1b = W_m1[:d], W_m1[d:]

    return _dense(src_feat, nf, ef, ngh_e, ts.reshape(-1, 1), ngh_t, tw2, tb2,
                  wqn, wqt, wkn, wkeb, wkt, wvn, wveb, wvt, wm1a, wm1b, W_m2)

# --- scband reference (transcript-rebuilt; emitter-appended) ---
"""Pipeline reference for scband-tgn-58995670778162 (READ-ONLY COPY).

The authoritative reference and input builder live on the scoring server;
editing this copy changes nothing except your own understanding.
"""

import jax, jax.numpy as jnp
import numpy as np

N = 10000
D = 128
K = 32
E = 640000
DE = 16
B = 1024
H = 2


def setup_inputs(seed: int = 0) -> dict:
    key = jax.random.key(seed)
    ks = jax.random.split(key, 18)
    inp = {}
    inp["source_nodes"] = jax.random.randint(ks[0], (B,), 0, N)
    inp["destination_nodes"] = jax.random.randint(ks[1], (B,), 0, N)
    inp["negative_nodes"] = jax.random.randint(ks[2], (B,), 0, N)
    inp["edge_times"] = jax.random.uniform(ks[3], (B,))
    inp["edge_idxs"] = jax.random.randint(ks[4], (B,), 0, E)
    inp["node_raw_features"] = jax.random.normal(ks[5], (N, D))
    inp["edge_raw_features"] = jax.random.normal(ks[6], (E, DE))
    inp["memory_state"] = jax.random.normal(ks[7], (N, D))
    inp["neighbors"] = jax.random.randint(ks[8], (N, K), 0, N)
    inp["neighbor_edge_idxs"] = jax.random.randint(ks[9], (N, K), 0, E)
    inp["neighbor_times"] = jax.random.uniform(ks[10], (N, K))
    inp["time_w"] = jax.random.normal(ks[11], (D,))
    inp["time_b"] = jax.random.normal(ks[12], (D,))
    s = lambda k, i, o: jax.random.normal(k, (i, o)) / np.sqrt(i)
    inp["W_q"] = s(ks[13], 2 * D, D)
    inp["W_k"] = s(ks[14], D + DE + D, D)
    inp["W_v"] = s(ks[15], D + DE + D, D)
    inp["W_m1"] = s(ks[16], 2 * D, D)
    inp["W_m2"] = s(ks[17], D, D)
    return inp


def reference(source_nodes, destination_nodes, negative_nodes, edge_times, edge_idxs,
              node_raw_features, edge_raw_features, memory_state,
              neighbors, neighbor_edge_idxs, neighbor_times,
              time_w, time_b, W_q, W_k, W_v, W_m1, W_m2):
    # TGN.compute_temporal_embeddings core: memory-augmented node features +
    # one layer of temporal graph attention over sampled neighbors.
    del edge_idxs  # used only by the (stateful) raw-message bookkeeping
    nodes = jnp.concatenate([source_nodes, destination_nodes, negative_nodes], axis=0)
    ts = jnp.concatenate([edge_times, edge_times, edge_times], axis=0)
    # memory lookup + raw node features (use_memory=True path)
    src_feat = memory_state[nodes] + node_raw_features[nodes]
    # temporal neighborhood gather (replaces neighbor_finder.get_temporal_neighbor)
    ngh = neighbors[nodes]                       # [3B, K]
    ngh_e = neighbor_edge_idxs[nodes]            # [3B, K]
    ngh_t = neighbor_times[nodes]                # [3B, K]
    delta = ts[:, None] - ngh_t                  # time deltas to neighbors
    # TimeEncode: cos(t * w + b)
    t_enc = jnp.cos(delta[..., None] * time_w + time_b)          # [3B, K, D]
    q_t = jnp.cos(jnp.zeros((nodes.shape[0], 1)) * time_w + time_b)  # delta=0 for query
    ngh_feat = memory_state[ngh] + node_raw_features[ngh]        # [3B, K, D]
    e_feat = edge_raw_features[ngh_e]                            # [3B, K, DE]
    # TemporalAttentionLayer (multi-head)
    q = jnp.concatenate([src_feat, q_t], axis=-1) @ W_q          # [3B, D]
    kv_in = jnp.concatenate([ngh_feat, e_feat, t_enc], axis=-1)  # [3B, K, D+DE+D]
    kk = kv_in @ W_k
    vv = kv_in @ W_v
    dh = D // H
    qh = q.reshape(-1, H, dh)
    kh = kk.reshape(-1, K, H, dh)
    vh = vv.reshape(-1, K, H, dh)
    scores = jnp.einsum('bhd,bkhd->bhk', qh, kh) / np.sqrt(dh)
    attn = jax.nn.softmax(scores, axis=-1)
    out = jnp.einsum('bhk,bkhd->bhd', attn, vh).reshape(-1, D)
    # MergeLayer skip connection
    hmid = jax.nn.relu(jnp.concatenate([out, src_feat], axis=-1) @ W_m1)
    emb = hmid @ W_m2                                            # [3B, D]
    return emb

if __name__ == "__main__":
    import jax
    _d = setup_inputs()
    print(jax.jit(kernel)(*tuple(_d.values())))

</pallas_src>

<mosaic_0001>
#map = affine_map<(d0, d1) -> (0)>
#map1 = affine_map<(d0, d1) -> (0, 0)>
module attributes {stable_mosaic.version = 14 : i64} {
  func.func @gather(%arg0: i32, %arg1: i32, %arg2: memref<3072xi32, #tpu.memory_space<hbm>>, %arg3: memref<10000x32xi32, #tpu.memory_space<hbm>>, %arg4: memref<10000x32xi32, #tpu.memory_space<hbm>>, %arg5: memref<10000x32xf32, #tpu.memory_space<hbm>>, %arg6: memref<10000x128xf32, #tpu.memory_space<hbm>>, %arg7: memref<131072x128xf32, #tpu.memory_space<hbm>>, %arg8: memref<3072x32xf32, #tpu.memory_space<hbm>>, %arg9: memref<3072x32xi32, #tpu.memory_space<hbm>>, %arg10: memref<3072x128xf32, #tpu.memory_space<hbm>>, %arg11: memref<98304x128xf32, #tpu.memory_space<hbm>>, %arg12: memref<98304x128xf32, #tpu.memory_space<hbm>>, %arg13: memref<96xi32, #tpu.memory_space<vmem>>, %arg14: memref<96x32xi32, #tpu.memory_space<vmem>>, %arg15: memref<96x32xi32, #tpu.memory_space<vmem>>, %arg16: memref<96x32xi32, #tpu.memory_space<vmem>>, %arg17: memref<96x32xf32, #tpu.memory_space<vmem>>, %arg18: memref<96x128xf32, #tpu.memory_space<vmem>>, %arg19: memref<32x128xf32, #tpu.memory_space<vmem>>, %arg20: memref<32x128xf32, #tpu.memory_space<vmem>>, %arg21: memref<32x128xf32, #tpu.memory_space<vmem>>, %arg22: memref<32x128xf32, #tpu.memory_space<vmem>>, %arg23: memref<32x128xf32, #tpu.memory_space<vmem>>, %arg24: memref<32x128xf32, #tpu.memory_space<vmem>>, %arg25: memref<32x128xf32, #tpu.memory_space<vmem>>, %arg26: memref<32x128xf32, #tpu.memory_space<vmem>>, %arg27: memref<32x128xf32, #tpu.memory_space<vmem>>, %arg28: memref<32x128xf32, #tpu.memory_space<vmem>>, %arg29: memref<32x128xf32, #tpu.memory_space<vmem>>, %arg30: memref<32x128xf32, #tpu.memory_space<vmem>>, %arg31: memref<!tpu.dma_semaphore, #tpu.memory_space<semaphore_mem>>, %arg32: memref<!tpu.dma_semaphore, #tpu.memory_space<semaphore_mem>>, %arg33: memref<!tpu.dma_semaphore, #tpu.memory_space<semaphore_mem>>, %arg34: memref<!tpu.dma_semaphore, #tpu.memory_space<semaphore_mem>>, %arg35: memref<!tpu.dma_semaphore, #tpu.memory_space<semaphore_mem>>, %arg36: memref<!tpu.dma_semaphore, #tpu.memory_space<semaphore_mem>>, %arg37: memref<!tpu.dma_semaphore, #tpu.memory_space<semaphore_mem>>, %arg38: memref<!tpu.dma_semaphore, #tpu.memory_space<semaphore_mem>>, %arg39: memref<!tpu.dma_semaphore, #tpu.memory_space<semaphore_mem>>, %arg40: memref<!tpu.dma_semaphore, #tpu.memory_space<semaphore_mem>>, %arg41: memref<!tpu.dma_semaphore, #tpu.memory_space<semaphore_mem>>, %arg42: memref<!tpu.dma_semaphore, #tpu.memory_space<semaphore_mem>>, %arg43: memref<!tpu.dma_semaphore, #tpu.memory_space<semaphore_mem>>) attributes {dimension_semantics = [#tpu.dimension_semantics<core_parallel>, #tpu.dimension_semantics<subcore_parallel>], iteration_bounds = array<i64: 2, 16>, scalar_prefetch = 0 : i64, scratch_operands = 31 : i64, tpu.core_type = #tpu.core_type<sc_vector_subcore>, window_params = [{transform_indices = #map}, {transform_indices = #map1}, {transform_indices = #map1}, {transform_indices = #map1}, {transform_indices = #map1}, {transform_indices = #map1}, {transform_indices = #map1}, {transform_indices = #map1}, {transform_indices = #map1}, {transform_indices = #map1}, {transform_indices = #map1}]} {
    %mul3A = arith.constant 2 : i32
    %mul3A_0 = arith.muli %arg1, %mul3A : i32
    %add3A = arith.addi %mul3A_0, %arg0 : i32
    %mul3A_1 = arith.constant 96 : i32
    %mul3A_2 = arith.muli %add3A, %mul3A_1 : i32
    "tpu.region"() ({
      %run_scoped3A = tpu.sem_alloc : memref<!tpu.dma_semaphore, #tpu.memory_space<semaphore_mem>>
      %dma_start3A_164 = tpu.memref_slice %arg2[%mul3A_2] : memref<3072xi32, #tpu.memory_space<hbm>> -> memref<96xi32, #tpu.memory_space<hbm>>
      %dma_start3A_165 = tpu.memref_slice %arg2[%mul3A_2] : memref<3072xi32, #tpu.memory_space<hbm>> -> memref<96xi32, #tpu.memory_space<hbm>>
      tpu.enqueue_dma source(%dma_start3A_165 : memref<96xi32, #tpu.memory_space<hbm>>) target(%arg13 : memref<96xi32, #tpu.memory_space<vmem>>) target_semaphore(%run_scoped3A : memref<!tpu.dma_semaphore, #tpu.memory_space<semaphore_mem>>)
      %dma_wait3A_166 = tpu.memref_slice %arg2[%mul3A_2] : memref<3072xi32, #tpu.memory_space<hbm>> -> memref<96xi32, #tpu.memory_space<hbm>>
      %dma_wait3A_167 = tpu.memref_slice %arg2[%mul3A_2] : memref<3072xi32, #tpu.memory_space<hbm>> -> memref<96xi32, #tpu.memory_space<hbm>>
      tpu.wait_dma2 semaphore(%run_scoped3A : memref<!tpu.dma_semaphore, #tpu.memory_space<semaphore_mem>>) src(%dma_wait3A_167 : memref<96xi32, #tpu.memory_space<hbm>>) dst(%arg13 : memref<96xi32, #tpu.memory_space<vmem>>)
      tpu.yield
    }) : () -> ()
    %dma_start3A = arith.constant 0 : i32
    %dma_start3A_3 = arith.constant 0 : i32
    %dma_start3A_4 = tpu.memref_slice %arg3[%dma_start3A, %dma_start3A_3] : memref<10000x32xi32, #tpu.memory_space<hbm>> -> memref<10000x32xi32, #tpu.memory_space<hbm>>
    tpu.enqueue_indirect_dma source(%dma_start3A_4 : memref<10000x32xi32, #tpu.memory_space<hbm>>) target(%arg14 : memref<96x32xi32, #tpu.memory_space<vmem>>) offsets(%arg13 : memref<96xi32, #tpu.memory_space<vmem>>) semaphore(%arg43 : memref<!tpu.dma_semaphore, #tpu.memory_space<semaphore_mem>>)
    %dma_start3A_5 = arith.constant 0 : i32
    %dma_start3A_6 = arith.constant 0 : i32
    %dma_start3A_7 = tpu.memref_slice %arg4[%dma_start3A_5, %dma_start3A_6] : memref<10000x32xi32, #tpu.memory_space<hbm>> -> memref<10000x32xi32, #tpu.memory_space<hbm>>
    tpu.enqueue_indirect_dma source(%dma_start3A_7 : memref<10000x32xi32, #tpu.memory_space<hbm>>) target(%arg15 : memref<96x32xi32, #tpu.memory_space<vmem>>) offsets(%arg13 : memref<96xi32, #tpu.memory_space<vmem>>) semaphore(%arg43 : memref<!tpu.dma_semaphore, #tpu.memory_space<semaphore_mem>>)
    %dma_start3A_8 = arith.constant 0 : i32
    %dma_start3A_9 = arith.constant 0 : i32
    %dma_start3A_10 = tpu.memref_slice %arg5[%dma_start3A_8, %dma_start3A_9] : memref<10000x32xf32, #tpu.memory_space<hbm>> -> memref<10000x32xf32, #tpu.memory_space<hbm>>
    tpu.enqueue_indirect_dma source(%dma_start3A_10 : memref<10000x32xf32, #tpu.memory_space<hbm>>) target(%arg17 : memref<96x32xf32, #tpu.memory_space<vmem>>) offsets(%arg13 : memref<96xi32, #tpu.memory_space<vmem>>) semaphore(%arg43 : memref<!tpu.dma_semaphore, #tpu.memory_space<semaphore_mem>>)
    %dma_start3A_11 = arith.constant 0 : i32
    %dma_start3A_12 = arith.constant 0 : i32
    %dma_start3A_13 = tpu.memref_slice %arg6[%dma_start3A_11, %dma_start3A_12] : memref<10000x128xf32, #tpu.memory_space<hbm>> -> memref<10000x128xf32, #tpu.memory_space<hbm>>
    tpu.enqueue_indirect_dma source(%dma_start3A_13 : memref<10000x128xf32, #tpu.memory_space<hbm>>) target(%arg18 : memref<96x128xf32, #tpu.memory_space<vmem>>) offsets(%arg13 : memref<96xi32, #tpu.memory_space<vmem>>) semaphore(%arg43 : memref<!tpu.dma_semaphore, #tpu.memory_space<semaphore_mem>>)
    %dma_wait3A = arith.constant 0 : i32
    %dma_wait3A_14 = arith.constant 0 : i32
    %dma_wait3A_15 = tpu.memref_slice %arg3[%dma_wait3A, %dma_wait3A_14] : memref<10000x32xi32, #tpu.memory_space<hbm>> -> memref<10000x32xi32, #tpu.memory_space<hbm>>
    tpu.wait_indirect_dma semaphore(%arg43 : memref<!tpu.dma_semaphore, #tpu.memory_space<semaphore_mem>>) src(%dma_wait3A_15 : memref<10000x32xi32, #tpu.memory_space<hbm>>) dst(%arg14 : memref<96x32xi32, #tpu.memory_space<vmem>>)
    %dma_wait3A_16 = arith.constant 0 : i32
    %dma_wait3A_17 = arith.constant 0 : i32
    %dma_wait3A_18 = tpu.memref_slice %arg4[%dma_wait3A_16, %dma_wait3A_17] : memref<10000x32xi32, #tpu.memory_space<hbm>> -> memref<10000x32xi32, #tpu.memory_space<hbm>>
    tpu.wait_indirect_dma semaphore(%arg43 : memref<!tpu.dma_semaphore, #tpu.memory_space<semaphore_mem>>) src(%dma_wait3A_18 : memref<10000x32xi32, #tpu.memory_space<hbm>>) dst(%arg15 : memref<96x32xi32, #tpu.memory_space<vmem>>)
    %dma_wait3A_19 = arith.constant 0 : i32
    %dma_wait3A_20 = arith.constant 0 : i32
    %dma_wait3A_21 = tpu.memref_slice %arg5[%dma_wait3A_19, %dma_wait3A_20] : memref<10000x32xf32, #tpu.memory_space<hbm>> -> memref<10000x32xf32, #tpu.memory_space<hbm>>
    tpu.wait_indirect_dma semaphore(%arg43 : memref<!tpu.dma_semaphore, #tpu.memory_space<semaphore_mem>>) src(%dma_wait3A_21 : memref<10000x32xf32, #tpu.memory_space<hbm>>) dst(%arg17 : memref<96x32xf32, #tpu.memory_space<vmem>>)
    %dma_wait3A_22 = arith.constant 0 : i32
    %dma_wait3A_23 = arith.constant 0 : i32
    %dma_wait3A_24 = tpu.memref_slice %arg6[%dma_wait3A_22, %dma_wait3A_23] : memref<10000x128xf32, #tpu.memory_space<hbm>> -> memref<10000x128xf32, #tpu.memory_space<hbm>>
    tpu.wait_indirect_dma semaphore(%arg43 : memref<!tpu.dma_semaphore, #tpu.memory_space<semaphore_mem>>) src(%dma_wait3A_24 : memref<10000x128xf32, #tpu.memory_space<hbm>>) dst(%arg18 : memref<96x128xf32, #tpu.memory_space<vmem>>)
    %scan3A = arith.constant 0 : i32
    %scan3A_25 = arith.constant 0 : i32
    %scan3A_26 = arith.constant 96 : i32
    %scan3A_27 = arith.addi %scan3A_25, %scan3A_26 : i32
    %scan3A_28 = arith.constant 1 : i32
    scf.for %scan3A_164 = %scan3A_25 to %scan3A_27 step %scan3A_28  : i32 {
      %get3A = arith.index_cast %scan3A_164 : i32 to index
      %get3A_165 = arith.constant 0 : index
      %get3A_166 = tpu.vector_load %arg15[%get3A, %get3A_165] {strides = array<i32>} : memref<96x32xi32, #tpu.memory_space<vmem>>, vector<1x16xi32>,
      %get3A_167 = vector.shape_cast %get3A_166 : vector<1x16xi32> to vector<16xi32>
      %and3A = arith.constant 131071 : i32
      %and3A_168 = vector.broadcast %and3A : i32 to vector<16xi32>
      %and3A_169 = arith.andi %get3A_167, %and3A_168 : vector<16xi32>
      %swap3A = arith.index_cast %scan3A_164 : i32 to index
      %swap3A_170 = arith.constant 0 : index
      %swap3A_171 = tpu.vector_load %arg16[%swap3A, %swap3A_170] {strides = array<i32>} : memref<96x32xi32, #tpu.memory_space<vmem>>, vector<1x16xi32>,
      %swap3A_172 = vector.shape_cast %swap3A_171 : vector<1x16xi32> to vector<16xi32>
      %swap3A_173 = vector.shape_cast %and3A_169 : vector<16xi32> to vector<1x16xi32>
      tpu.vector_store %arg16[%swap3A, %swap3A_170], %swap3A_173 {strides = array<i32>} : memref<96x32xi32, #tpu.memory_space<vmem>>, vector<1x16xi32>,
      %get3A_174 = arith.index_cast %scan3A_164 : i32 to index
      %get3A_175 = arith.constant 16 : index
      %get3A_176 = tpu.vector_load %arg15[%get3A_174, %get3A_175] {strides = array<i32>} : memref<96x32xi32, #tpu.memory_space<vmem>>, vector<1x16xi32>,
      %get3A_177 = vector.shape_cast %get3A_176 : vector<1x16xi32> to vector<16xi32>
      %and3A_178 = arith.constant 131071 : i32
      %and3A_179 = vector.broadcast %and3A_178 : i32 to vector<16xi32>
      %and3A_180 = arith.andi %get3A_177, %and3A_179 : vector<16xi32>
      %swap3A_181 = arith.index_cast %scan3A_164 : i32 to index
      %swap3A_182 = arith.constant 16 : index
      %swap3A_183 = tpu.vector_load %arg16[%swap3A_181, %swap3A_182] {strides = array<i32>} : memref<96x32xi32, #tpu.memory_space<vmem>>, vector<1x16xi32>,
      %swap3A_184 = vector.shape_cast %swap3A_183 : vector<1x16xi32> to vector<16xi32>
      %swap3A_185 = vector.shape_cast %and3A_180 : vector<16xi32> to vector<1x16xi32>
      tpu.vector_store %arg16[%swap3A_181, %swap3A_182], %swap3A_185 {strides = array<i32>} : memref<96x32xi32, #tpu.memory_space<vmem>>, vector<1x16xi32>,
    }
    %scan3A_29 = arith.constant 96 : i32
    "tpu.region"() ({
      %run_scoped3A = tpu.sem_alloc : memref<!tpu.dma_semaphore, #tpu.memory_space<semaphore_mem>>
      %dma_start3A_164 = arith.constant 0 : i32
      %dma_start3A_165 = tpu.memref_slice %arg8[%mul3A_2, %dma_start3A_164] : memref<3072x32xf32, #tpu.memory_space<hbm>> -> memref<96x32xf32, #tpu.memory_space<hbm>>
      %dma_start3A_166 = arith.constant 0 : i32
      %dma_start3A_167 = tpu.memref_slice %arg8[%mul3A_2, %dma_start3A_166] : memref<3072x32xf32, #tpu.memory_space<hbm>> -> memref<96x32xf32, #tpu.memory_space<hbm>>
      tpu.enqueue_dma source(%arg17 : memref<96x32xf32, #tpu.memory_space<vmem>>) target(%dma_start3A_167 : memref<96x32xf32, #tpu.memory_space<hbm>>) target_semaphore(%run_scoped3A : memref<!tpu.dma_semaphore, #tpu.memory_space<semaphore_mem>>)
      %dma_wait3A_168 = arith.constant 0 : i32
      %dma_wait3A_169 = tpu.memref_slice %arg8[%mul3A_2, %dma_wait3A_168] : memref<3072x32xf32, #tpu.memory_space<hbm>> -> memref<96x32xf32, #tpu.memory_space<hbm>>
      %dma_wait3A_170 = arith.constant 0 : i32
      %dma_wait3A_171 = tpu.memref_slice %arg8[%mul3A_2, %dma_wait3A_170] : memref<3072x32xf32, #tpu.memory_space<hbm>> -> memref<96x32xf32, #tpu.memory_space<hbm>>
      tpu.wait_dma2 semaphore(%run_scoped3A : memref<!tpu.dma_semaphore, #tpu.memory_space<semaphore_mem>>) src(%arg17 : memref<96x32xf32, #tpu.memory_space<vmem>>) dst(%dma_wait3A_171 : memref<96x32xf32, #tpu.memory_space<hbm>>)
      tpu.yield
    }) : () -> ()
    "tpu.region"() ({
      %run_scoped3A = tpu.sem_alloc : memref<!tpu.dma_semaphore, #tpu.memory_space<semaphore_mem>>
      %dma_start3A_164 = arith.constant 0 : i32
      %dma_start3A_165 = tpu.memref_slice %arg9[%mul3A_2, %dma_start3A_164] : memref<3072x32xi32, #tpu.memory_space<hbm>> -> memref<96x32xi32, #tpu.memory_space<hbm>>
      %dma_start3A_166 = arith.constant 0 : i32
      %dma_start3A_167 = tpu.memref_slice %arg9[%mul3A_2, %dma_start3A_166] : memref<3072x32xi32, #tpu.memory_space<hbm>> -> memref<96x32xi32, #tpu.memory_space<hbm>>
      tpu.enqueue_dma source(%arg15 : memref<96x32xi32, #tpu.memory_space<vmem>>) target(%dma_start3A_167 : memref<96x32xi32, #tpu.memory_space<hbm>>) target_semaphore(%run_scoped3A : memref<!tpu.dma_semaphore, #tpu.memory_space<semaphore_mem>>)
      %dma_wait3A_168 = arith.constant 0 : i32
      %dma_wait3A_169 = tpu.memref_slice %arg9[%mul3A_2, %dma_wait3A_168] : memref<3072x32xi32, #tpu.memory_space<hbm>> -> memref<96x32xi32, #tpu.memory_space<hbm>>
      %dma_wait3A_170 = arith.constant 0 : i32
      %dma_wait3A_171 = tpu.memref_slice %arg9[%mul3A_2, %dma_wait3A_170] : memref<3072x32xi32, #tpu.memory_space<hbm>> -> memref<96x32xi32, #tpu.memory_space<hbm>>
      tpu.wait_dma2 semaphore(%run_scoped3A : memref<!tpu.dma_semaphore, #tpu.memory_space<semaphore_mem>>) src(%arg15 : memref<96x32xi32, #tpu.memory_space<vmem>>) dst(%dma_wait3A_171 : memref<96x32xi32, #tpu.memory_space<hbm>>)
      tpu.yield
    }) : () -> ()
    "tpu.region"() ({
      %run_scoped3A = tpu.sem_alloc : memref<!tpu.dma_semaphore, #tpu.memory_space<semaphore_mem>>
      %dma_start3A_164 = arith.constant 0 : i32
      %dma_start3A_165 = tpu.memref_slice %arg10[%mul3A_2, %dma_start3A_164] : memref<3072x128xf32, #tpu.memory_space<hbm>> -> memref<96x128xf32, #tpu.memory_space<hbm>>
      %dma_start3A_166 = arith.constant 0 : i32
      %dma_start3A_167 = tpu.memref_slice %arg10[%mul3A_2, %dma_start3A_166] : memref<3072x128xf32, #tpu.memory_space<hbm>> -> memref<96x128xf32, #tpu.memory_space<hbm>>
      tpu.enqueue_dma source(%arg18 : memref<96x128xf32, #tpu.memory_space<vmem>>) target(%dma_start3A_167 : memref<96x128xf32, #tpu.memory_space<hbm>>) target_semaphore(%run_scoped3A : memref<!tpu.dma_semaphore, #tpu.memory_space<semaphore_mem>>)
      %dma_wait3A_168 = arith.constant 0 : i32
      %dma_wait3A_169 = tpu.memref_slice %arg10[%mul3A_2, %dma_wait3A_168] : memref<3072x128xf32, #tpu.memory_space<hbm>> -> memref<96x128xf32, #tpu.memory_space<hbm>>
      %dma_wait3A_170 = arith.constant 0 : i32
      %dma_wait3A_171 = tpu.memref_slice %arg10[%mul3A_2, %dma_wait3A_170] : memref<3072x128xf32, #tpu.memory_space<hbm>> -> memref<96x128xf32, #tpu.memory_space<hbm>>
      tpu.wait_dma2 semaphore(%run_scoped3A : memref<!tpu.dma_semaphore, #tpu.memory_space<semaphore_mem>>) src(%arg18 : memref<96x128xf32, #tpu.memory_space<vmem>>) dst(%dma_wait3A_171 : memref<96x128xf32, #tpu.memory_space<hbm>>)
      tpu.yield
    }) : () -> ()
    %dma_start3A_30 = arith.constant 0 : i32
    %dma_start3A_31 = arith.constant 0 : i32
    %dma_start3A_32 = tpu.memref_slice %arg14[%dma_start3A_30, %dma_start3A_31] : memref<96x32xi32, #tpu.memory_space<vmem>> -> memref<1x32xi32, #tpu.memory_space<vmem>>
    %dma_start3A_33 = tpu.memref_squeeze %dma_start3A_32 : memref<1x32xi32, #tpu.memory_space<vmem>> -> memref<32xi32, #tpu.memory_space<vmem>>
    %dma_start3A_34 = arith.constant 0 : i32
    %dma_start3A_35 = arith.constant 0 : i32
    %dma_start3A_36 = tpu.memref_slice %arg6[%dma_start3A_34, %dma_start3A_35] : memref<10000x128xf32, #tpu.memory_space<hbm>> -> memref<10000x128xf32, #tpu.memory_space<hbm>>
    tpu.enqueue_indirect_dma source(%dma_start3A_36 : memref<10000x128xf32, #tpu.memory_space<hbm>>) target(%arg19 : memref<32x128xf32, #tpu.memory_space<vmem>>) offsets(%dma_start3A_33 : memref<32xi32, #tpu.memory_space<vmem>>) semaphore(%arg31 : memref<!tpu.dma_semaphore, #tpu.memory_space<semaphore_mem>>)
    %dma_start3A_37 = arith.constant 0 : i32
    %dma_start3A_38 = arith.constant 0 : i32
    %dma_start3A_39 = tpu.memref_slice %arg16[%dma_start3A_37, %dma_start3A_38] : memref<96x32xi32, #tpu.memory_space<vmem>> -> memref<1x32xi32, #tpu.memory_space<vmem>>
    %dma_start3A_40 = tpu.memref_squeeze %dma_start3A_39 : memref<1x32xi32, #tpu.memory_space<vmem>> -> memref<32xi32, #tpu.memory_space<vmem>>
    %dma_start3A_41 = arith.constant 0 : i32
    %dma_start3A_42 = arith.constant 0 : i32
    %dma_start3A_43 = tpu.memref_slice %arg7[%dma_start3A_41, %dma_start3A_42] : memref<131072x128xf32, #tpu.memory_space<hbm>> -> memref<131072x128xf32, #tpu.memory_space<hbm>>
    tpu.enqueue_indirect_dma source(%dma_start3A_43 : memref<131072x128xf32, #tpu.memory_space<hbm>>) target(%arg25 : memref<32x128xf32, #tpu.memory_space<vmem>>) offsets(%dma_start3A_40 : memref<32xi32, #tpu.memory_space<vmem>>) semaphore(%arg31 : memref<!tpu.dma_semaphore, #tpu.memory_space<semaphore_mem>>)
    %dma_start3A_44 = arith.constant 1 : i32
    %dma_start3A_45 = arith.constant 0 : i32
    %dma_start3A_46 = tpu.memref_slice %arg14[%dma_start3A_44, %dma_start3A_45] : memref<96x32xi32, #tpu.memory_space<vmem>> -> memref<1x32xi32, #tpu.memory_space<vmem>>
    %dma_start3A_47 = tpu.memref_squeeze %dma_start3A_46 : memref<1x32xi32, #tpu.memory_space<vmem>> -> memref<32xi32, #tpu.memory_space<vmem>>
    %dma_start3A_48 = arith.constant 0 : i32
    %dma_start3A_49 = arith.constant 0 : i32
    %dma_start3A_50 = tpu.memref_slice %arg6[%dma_start3A_48, %dma_start3A_49] : memref<10000x128xf32, #tpu.memory_space<hbm>> -> memref<10000x128xf32, #tpu.memory_space<hbm>>
    tpu.enqueue_indirect_dma source(%dma_start3A_50 : memref<10000x128xf32, #tpu.memory_space<hbm>>) target(%arg20 : memref<32x128xf32, #tpu.memory_space<vmem>>) offsets(%dma_start3A_47 : memref<32xi32, #tpu.memory_space<vmem>>) semaphore(%arg32 : memref<!tpu.dma_semaphore, #tpu.memory_space<semaphore_mem>>)
    %dma_start3A_51 = arith.constant 1 : i32
    %dma_start3A_52 = arith.constant 0 : i32
    %dma_start3A_53 = tpu.memref_slice %arg16[%dma_start3A_51, %dma_start3A_52] : memref<96x32xi32, #tpu.memory_space<vmem>> -> memref<1x32xi32, #tpu.memory_space<vmem>>
    %dma_start3A_54 = tpu.memref_squeeze %dma_start3A_53 : memref<1x32xi32, #tpu.memory_space<vmem>> -> memref<32xi32, #tpu.memory_space<vmem>>
    %dma_start3A_55 = arith.constant 0 : i32
    %dma_start3A_56 = arith.constant 0 : i32
    %dma_start3A_57 = tpu.memref_slice %arg7[%dma_start3A_55, %dma_start3A_56] : memref<131072x128xf32, #tpu.memory_space<hbm>> -> memref<131072x128xf32, #tpu.memory_space<hbm>>
    tpu.enqueue_indirect_dma source(%dma_start3A_57 : memref<131072x128xf32, #tpu.memory_space<hbm>>) target(%arg26 : memref<32x128xf32, #tpu.memory_space<vmem>>) offsets(%dma_start3A_54 : memref<32xi32, #tpu.memory_space<vmem>>) semaphore(%arg32 : memref<!tpu.dma_semaphore, #tpu.memory_space<semaphore_mem>>)
    %dma_start3A_58 = arith.constant 2 : i32
    %dma_start3A_59 = arith.constant 0 : i32
    %dma_start3A_60 = tpu.memref_slice %arg14[%dma_start3A_58, %dma_start3A_59] : memref<96x32xi32, #tpu.memory_space<vmem>> -> memref<1x32xi32, #tpu.memory_space<vmem>>
    %dma_start3A_61 = tpu.memref_squeeze %dma_start3A_60 : memref<1x32xi32, #tpu.memory_space<vmem>> -> memref<32xi32, #tpu.memory_space<vmem>>
    %dma_start3A_62 = arith.constant 0 : i32
    %dma_start3A_63 = arith.constant 0 : i32
    %dma_start3A_64 = tpu.memref_slice %arg6[%dma_start3A_62, %dma_start3A_63] : memref<10000x128xf32, #tpu.memory_space<hbm>> -> memref<10000x128xf32, #tpu.memory_space<hbm>>
    tpu.enqueue_indirect_dma source(%dma_start3A_64 : memref<10000x128xf32, #tpu.memory_space<hbm>>) target(%arg21 : memref<32x128xf32, #tpu.memory_space<vmem>>) offsets(%dma_start3A_61 : memref<32xi32, #tpu.memory_space<vmem>>) semaphore(%arg33 : memref<!tpu.dma_semaphore, #tpu.memory_space<semaphore_mem>>)
    %dma_start3A_65 = arith.constant 2 : i32
    %dma_start3A_66 = arith.constant 0 : i32
    %dma_start3A_67 = tpu.memref_slice %arg16[%dma_start3A_65, %dma_start3A_66] : memref<96x32xi32, #tpu.memory_space<vmem>> -> memref<1x32xi32, #tpu.memory_space<vmem>>
    %dma_start3A_68 = tpu.memref_squeeze %dma_start3A_67 : memref<1x32xi32, #tpu.memory_space<vmem>> -> memref<32xi32, #tpu.memory_space<vmem>>
    %dma_start3A_69 = arith.constant 0 : i32
    %dma_start3A_70 = arith.constant 0 : i32
    %dma_start3A_71 = tpu.memref_slice %arg7[%dma_start3A_69, %dma_start3A_70] : memref<131072x128xf32, #tpu.memory_space<hbm>> -> memref<131072x128xf32, #tpu.memory_space<hbm>>
    tpu.enqueue_indirect_dma source(%dma_start3A_71 : memref<131072x128xf32, #tpu.memory_space<hbm>>) target(%arg27 : memref<32x128xf32, #tpu.memory_space<vmem>>) offsets(%dma_start3A_68 : memref<32xi32, #tpu.memory_space<vmem>>) semaphore(%arg33 : memref<!tpu.dma_semaphore, #tpu.memory_space<semaphore_mem>>)
    %dma_start3A_72 = arith.constant 3 : i32
    %dma_start3A_73 = arith.constant 0 : i32
    %dma_start3A_74 = tpu.memref_slice %arg14[%dma_start3A_72, %dma_start3A_73] : memref<96x32xi32, #tpu.memory_space<vmem>> -> memref<1x32xi32, #tpu.memory_space<vmem>>
    %dma_start3A_75 = tpu.memref_squeeze %dma_start3A_74 : memref<1x32xi32, #tpu.memory_space<vmem>> -> memref<32xi32, #tpu.memory_space<vmem>>
    %dma_start3A_76 = arith.constant 0 : i32
    %dma_start3A_77 = arith.constant 0 : i32
    %dma_start3A_78 = tpu.memref_slice %arg6[%dma_start3A_76, %dma_start3A_77] : memref<10000x128xf32, #tpu.memory_space<hbm>> -> memref<10000x128xf32, #tpu.memory_space<hbm>>
    tpu.enqueue_indirect_dma source(%dma_start3A_78 : memref<10000x128xf32, #tpu.memory_space<hbm>>) target(%arg22 : memref<32x128xf32, #tpu.memory_space<vmem>>) offsets(%dma_start3A_75 : memref<32xi32, #tpu.memory_space<vmem>>) semaphore(%arg34 : memref<!tpu.dma_semaphore, #tpu.memory_space<semaphore_mem>>)
    %dma_start3A_79 = arith.constant 3 : i32
    %dma_start3A_80 = arith.constant 0 : i32
    %dma_start3A_81 = tpu.memref_slice %arg16[%dma_start3A_79, %dma_start3A_80] : memref<96x32xi32, #tpu.memory_space<vmem>> -> memref<1x32xi32, #tpu.memory_space<vmem>>
    %dma_start3A_82 = tpu.memref_squeeze %dma_start3A_81 : memref<1x32xi32, #tpu.memory_space<vmem>> -> memref<32xi32, #tpu.memory_space<vmem>>
    %dma_start3A_83 = arith.constant 0 : i32
    %dma_start3A_84 = arith.constant 0 : i32
    %dma_start3A_85 = tpu.memref_slice %arg7[%dma_start3A_83, %dma_start3A_84] : memref<131072x128xf32, #tpu.memory_space<hbm>> -> memref<131072x128xf32, #tpu.memory_space<hbm>>
    tpu.enqueue_indirect_dma source(%dma_start3A_85 : memref<131072x128xf32, #tpu.memory_space<hbm>>) target(%arg28 : memref<32x128xf32, #tpu.memory_space<vmem>>) offsets(%dma_start3A_82 : memref<32xi32, #tpu.memory_space<vmem>>) semaphore(%arg34 : memref<!tpu.dma_semaphore, #tpu.memory_space<semaphore_mem>>)
    %scan3A_86 = arith.constant 0 : i32
    %scan3A_87 = arith.constant 0 : i32
    %scan3A_88 = arith.constant 16 : i32
    %scan3A_89 = arith.addi %scan3A_87, %scan3A_88 : i32
    %scan3A_90 = arith.constant 1 : i32
    scf.for %scan3A_164 = %scan3A_87 to %scan3A_89 step %scan3A_90  : i32 {
      %mul3A_165 = arith.constant 6 : i32
      %mul3A_166 = arith.muli %scan3A_164, %mul3A_165 : i32
      %add3A_167 = arith.constant 0 : i32
      %add3A_168 = arith.addi %mul3A_166, %add3A_167 : i32
      %dma_wait3A_169 = arith.constant 0 : i32
      %dma_wait3A_170 = arith.constant 0 : i32
      %dma_wait3A_171 = tpu.memref_slice %arg14[%dma_wait3A_169, %dma_wait3A_170] : memref<96x32xi32, #tpu.memory_space<vmem>> -> memref<1x32xi32, #tpu.memory_space<vmem>>
      %dma_wait3A_172 = tpu.memref_squeeze %dma_wait3A_171 : memref<1x32xi32, #tpu.memory_space<vmem>> -> memref<32xi32, #tpu.memory_space<vmem>>
      %dma_wait3A_173 = arith.constant 0 : i32
      %dma_wait3A_174 = arith.constant 0 : i32
      %dma_wait3A_175 = tpu.memref_slice %arg6[%dma_wait3A_173, %dma_wait3A_174] : memref<10000x128xf32, #tpu.memory_space<hbm>> -> memref<10000x128xf32, #tpu.memory_space<hbm>>
      tpu.wait_indirect_dma semaphore(%arg31 : memref<!tpu.dma_semaphore, #tpu.memory_space<semaphore_mem>>) src(%dma_wait3A_175 : memref<10000x128xf32, #tpu.memory_space<hbm>>) dst(%arg19 : memref<32x128xf32, #tpu.memory_space<vmem>>)
      %dma_wait3A_176 = arith.constant 0 : i32
      %dma_wait3A_177 = arith.constant 0 : i32
      %dma_wait3A_178 = tpu.memref_slice %arg16[%dma_wait3A_176, %dma_wait3A_177] : memref<96x32xi32, #tpu.memory_space<vmem>> -> memref<1x32xi32, #tpu.memory_space<vmem>>
      %dma_wait3A_179 = tpu.memref_squeeze %dma_wait3A_178 : memref<1x32xi32, #tpu.memory_space<vmem>> -> memref<32xi32, #tpu.memory_space<vmem>>
      %dma_wait3A_180 = arith.constant 0 : i32
      %dma_wait3A_181 = arith.constant 0 : i32
      %dma_wait3A_182 = tpu.memref_slice %arg7[%dma_wait3A_180, %dma_wait3A_181] : memref<131072x128xf32, #tpu.memory_space<hbm>> -> memref<131072x128xf32, #tpu.memory_space<hbm>>
      tpu.wait_indirect_dma semaphore(%arg31 : memref<!tpu.dma_semaphore, #tpu.memory_space<semaphore_mem>>) src(%dma_wait3A_182 : memref<131072x128xf32, #tpu.memory_space<hbm>>) dst(%arg25 : memref<32x128xf32, #tpu.memory_space<vmem>>)
      %add3A_183 = arith.addi %mul3A_2, %add3A_168 : i32
      %mul3A_184 = arith.constant 32 : i32
      %mul3A_185 = arith.muli %add3A_183, %mul3A_184 : i32
      %dma_start3A_186 = arith.constant 0 : i32
      %dma_start3A_187 = tpu.memref_slice %arg11[%mul3A_185, %dma_start3A_186] : memref<98304x128xf32, #tpu.memory_space<hbm>> -> memref<32x128xf32, #tpu.memory_space<hbm>>
      %dma_start3A_188 = arith.constant 0 : i32
      %dma_start3A_189 = tpu.memref_slice %arg11[%mul3A_185, %dma_start3A_188] : memref<98304x128xf32, #tpu.memory_space<hbm>> -> memref<32x128xf32, #tpu.memory_space<hbm>>
      tpu.enqueue_dma source(%arg19 : memref<32x128xf32, #tpu.memory_space<vmem>>) target(%dma_start3A_189 : memref<32x128xf32, #tpu.memory_space<hbm>>) target_semaphore(%arg37 : memref<!tpu.dma_semaphore, #tpu.memory_space<semaphore_mem>>)
      %dma_start3A_190 = arith.constant 0 : i32
      %dma_start3A_191 = tpu.memref_slice %arg12[%mul3A_185, %dma_start3A_190] : memref<98304x128xf32, #tpu.memory_space<hbm>> -> memref<32x128xf32, #tpu.memory_space<hbm>>
      %dma_start3A_192 = arith.constant 0 : i32
      %dma_start3A_193 = tpu.memref_slice %arg12[%mul3A_185, %dma_start3A_192] : memref<98304x128xf32, #tpu.memory_space<hbm>> -> memref<32x128xf32, #tpu.memory_space<hbm>>
      tpu.enqueue_dma source(%arg25 : memref<32x128xf32, #tpu.memory_space<vmem>>) target(%dma_start3A_193 : memref<32x128xf32, #tpu.memory_space<hbm>>) target_semaphore(%arg37 : memref<!tpu.dma_semaphore, #tpu.memory_space<semaphore_mem>>)
      %add3A_194 = arith.constant 4 : i32
      %add3A_195 = arith.addi %add3A_168, %add3A_194 : i32
      %lt3A = arith.constant 96 : i32
      %lt3A_196 = arith.cmpi slt, %add3A_195, %lt3A : i32
      %convert_element_type3A = arith.extui %lt3A_196 : i1 to i32
      %cond3A = arith.constant 0 : i32
      %cond3A_197 = arith.cmpi ne, %convert_element_type3A, %cond3A : i32
      scf.if %cond3A_197 {
        %ge3A = arith.constant 6 : i32
        %ge3A_378 = arith.cmpi sge, %add3A_195, %ge3A : i32
        %convert_element_type3A_379 = arith.extui %ge3A_378 : i1 to i32
        %cond3A_380 = arith.constant 0 : i32
        %cond3A_381 = arith.cmpi ne, %convert_element_type3A_379, %cond3A_380 : i32
        scf.if %cond3A_381 {
          %dma_wait3A_394 = arith.constant 0 : i32
          %dma_wait3A_395 = arith.constant 0 : i32
          %dma_wait3A_396 = tpu.memref_slice %arg11[%dma_wait3A_394, %dma_wait3A_395] : memref<98304x128xf32, #tpu.memory_space<hbm>> -> memref<32x128xf32, #tpu.memory_space<hbm>>
          %dma_wait3A_397 = arith.constant 0 : i32
          %dma_wait3A_398 = arith.constant 0 : i32
          %dma_wait3A_399 = tpu.memref_slice %arg11[%dma_wait3A_397, %dma_wait3A_398] : memref<98304x128xf32, #tpu.memory_space<hbm>> -> memref<32x128xf32, #tpu.memory_space<hbm>>
          tpu.wait_dma2 semaphore(%arg41 : memref<!tpu.dma_semaphore, #tpu.memory_space<semaphore_mem>>) src(%arg23 : memref<32x128xf32, #tpu.memory_space<vmem>>) dst(%dma_wait3A_399 : memref<32x128xf32, #tpu.memory_space<hbm>>)
          %dma_wait3A_400 = arith.constant 0 : i32
          %dma_wait3A_401 = arith.constant 0 : i32
          %dma_wait3A_402 = tpu.memref_slice %arg12[%dma_wait3A_400, %dma_wait3A_401] : memref<98304x128xf32, #tpu.memory_space<hbm>> -> memref<32x128xf32, #tpu.memory_space<hbm>>
          %dma_wait3A_403 = arith.constant 0 : i32
          %dma_wait3A_404 = arith.constant 0 : i32
          %dma_wait3A_405 = tpu.memref_slice %arg12[%dma_wait3A_403, %dma_wait3A_404] : memref<98304x128xf32, #tpu.memory_space<hbm>> -> memref<32x128xf32, #tpu.memory_space<hbm>>
          tpu.wait_dma2 semaphore(%arg41 : memref<!tpu.dma_semaphore, #tpu.memory_space<semaphore_mem>>) src(%arg29 : memref<32x128xf32, #tpu.memory_space<vmem>>) dst(%dma_wait3A_405 : memref<32x128xf32, #tpu.memory_space<hbm>>)
        } else {
        }
        %dma_start3A_382 = arith.constant 0 : i32
        %dma_start3A_383 = tpu.memref_slice %arg14[%add3A_195, %dma_start3A_382] : memref<96x32xi32, #tpu.memory_space<vmem>> -> memref<1x32xi32, #tpu.memory_space<vmem>>
        %dma_start3A_384 = tpu.memref_squeeze %dma_start3A_383 : memref<1x32xi32, #tpu.memory_space<vmem>> -> memref<32xi32, #tpu.memory_space<vmem>>
        %dma_start3A_385 = arith.constant 0 : i32
        %dma_start3A_386 = arith.constant 0 : i32
        %dma_start3A_387 = tpu.memref_slice %arg6[%dma_start3A_385, %dma_start3A_386] : memref<10000x128xf32, #tpu.memory_space<hbm>> -> memref<10000x128xf32, #tpu.memory_space<hbm>>
        tpu.enqueue_indirect_dma source(%dma_start3A_387 : memref<10000x128xf32, #tpu.memory_space<hbm>>) target(%arg23 : memref<32x128xf32, #tpu.memory_space<vmem>>) offsets(%dma_start3A_384 : memref<32xi32, #tpu.memory_space<vmem>>) semaphore(%arg35 : memref<!tpu.dma_semaphore, #tpu.memory_space<semaphore_mem>>)
        %dma_start3A_388 = arith.constant 0 : i32
        %dma_start3A_389 = tpu.memref_slice %arg16[%add3A_195, %dma_start3A_388] : memref<96x32xi32, #tpu.memory_space<vmem>> -> memref<1x32xi32, #tpu.memory_space<vmem>>
        %dma_start3A_390 = tpu.memref_squeeze %dma_start3A_389 : memref<1x32xi32, #tpu.memory_space<vmem>> -> memref<32xi32, #tpu.memory_space<vmem>>
        %dma_start3A_391 = arith.constant 0 : i32
        %dma_start3A_392 = arith.constant 0 : i32
        %dma_start3A_393 = tpu.memref_slice %arg7[%dma_start3A_391, %dma_start3A_392] : memref<131072x128xf32, #tpu.memory_space<hbm>> -> memref<131072x128xf32, #tpu.memory_space<hbm>>
        tpu.enqueue_indirect_dma source(%dma_start3A_393 : memref<131072x128xf32, #tpu.memory_space<hbm>>) target(%arg29 : memref<32x128xf32, #tpu.memory_space<vmem>>) offsets(%dma_start3A_390 : memref<32xi32, #tpu.memory_space<vmem>>) semaphore(%arg35 : memref<!tpu.dma_semaphore, #tpu.memory_space<semaphore_mem>>)
      } else {
      }
      %mul3A_198 = arith.constant 6 : i32
      %mul3A_199 = arith.muli %scan3A_164, %mul3A_198 : i32
      %add3A_200 = arith.constant 1 : i32
      %add3A_201 = arith.addi %mul3A_199, %add3A_200 : i32
      %dma_wait3A_202 = arith.constant 0 : i32
      %dma_wait3A_203 = arith.constant 0 : i32
      %dma_wait3A_204 = tpu.memref_slice %arg14[%dma_wait3A_202, %dma_wait3A_203] : memref<96x32xi32, #tpu.memory_space<vmem>> -> memref<1x32xi32, #tpu.memory_space<vmem>>
      %dma_wait3A_205 = tpu.memref_squeeze %dma_wait3A_204 : memref<1x32xi32, #tpu.memory_space<vmem>> -> memref<32xi32, #tpu.memory_space<vmem>>
      %dma_wait3A_206 = arith.constant 0 : i32
      %dma_wait3A_207 = arith.constant 0 : i32
      %dma_wait3A_208 = tpu.memref_slice %arg6[%dma_wait3A_206, %dma_wait3A_207] : memref<10000x128xf32, #tpu.memory_space<hbm>> -> memref<10000x128xf32, #tpu.memory_space<hbm>>
      tpu.wait_indirect_dma semaphore(%arg32 : memref<!tpu.dma_semaphore, #tpu.memory_space<semaphore_mem>>) src(%dma_wait3A_208 : memref<10000x128xf32, #tpu.memory_space<hbm>>) dst(%arg20 : memref<32x128xf32, #tpu.memory_space<vmem>>)
      %dma_wait3A_209 = arith.constant 0 : i32
      %dma_wait3A_210 = arith.constant 0 : i32
      %dma_wait3A_211 = tpu.memref_slice %arg16[%dma_wait3A_209, %dma_wait3A_210] : memref<96x32xi32, #tpu.memory_space<vmem>> -> memref<1x32xi32, #tpu.memory_space<vmem>>
      %dma_wait3A_212 = tpu.memref_squeeze %dma_wait3A_211 : memref<1x32xi32, #tpu.memory_space<vmem>> -> memref<32xi32, #tpu.memory_space<vmem>>
      %dma_wait3A_213 = arith.constant 0 : i32
      %dma_wait3A_214 = arith.constant 0 : i32
      %dma_wait3A_215 = tpu.memref_slice %arg7[%dma_wait3A_213, %dma_wait3A_214] : memref<131072x128xf32, #tpu.memory_space<hbm>> -> memref<131072x128xf32, #tpu.memory_space<hbm>>
      tpu.wait_indirect_dma semaphore(%arg32 : memref<!tpu.dma_semaphore, #tpu.memory_space<semaphore_mem>>) src(%dma_wait3A_215 : memref<131072x128xf32, #tpu.memory_space<hbm>>) dst(%arg26 : memref<32x128xf32, #tpu.memory_space<vmem>>)
      %add3A_216 = arith.addi %mul3A_2, %add3A_201 : i32
      %mul3A_217 = arith.constant 32 : i32
      %mul3A_218 = arith.muli %add3A_216, %mul3A_217 : i32
      %dma_start3A_219 = arith.constant 0 : i32
      %dma_start3A_220 = tpu.memref_slice %arg11[%mul3A_218, %dma_start3A_219] : memref<98304x128xf32, #tpu.memory_space<hbm>> -> memref<32x128xf32, #tpu.memory_space<hbm>>
      %dma_start3A_221 = arith.constant 0 : i32
      %dma_start3A_222 = tpu.memref_slice %arg11[%mul3A_218, %dma_start3A_221] : memref<98304x128xf32, #tpu.memory_space<hbm>> -> memref<32x128xf32, #tpu.memory_space<hbm>>
      tpu.enqueue_dma source(%arg20 : memref<32x128xf32, #tpu.memory_space<vmem>>) target(%dma_start3A_222 : memref<32x128xf32, #tpu.memory_space<hbm>>) target_semaphore(%arg38 : memref<!tpu.dma_semaphore, #tpu.memory_space<semaphore_mem>>)
      %dma_start3A_223 = arith.constant 0 : i32
      %dma_start3A_224 = tpu.memref_slice %arg12[%mul3A_218, %dma_start3A_223] : memref<98304x128xf32, #tpu.memory_space<hbm>> -> memref<32x128xf32, #tpu.memory_space<hbm>>
      %dma_start3A_225 = arith.constant 0 : i32
      %dma_start3A_226 = tpu.memref_slice %arg12[%mul3A_218, %dma_start3A_225] : memref<98304x128xf32, #tpu.memory_space<hbm>> -> memref<32x128xf32, #tpu.memory_space<hbm>>
      tpu.enqueue_dma source(%arg26 : memref<32x128xf32, #tpu.memory_space<vmem>>) target(%dma_start3A_226 : memref<32x128xf32, #tpu.memory_space<hbm>>) target_semaphore(%arg38 : memref<!tpu.dma_semaphore, #tpu.memory_space<semaphore_mem>>)
      %add3A_227 = arith.constant 4 : i32
      %add3A_228 = arith.addi %add3A_201, %add3A_227 : i32
      %lt3A_229 = arith.constant 96 : i32
      %lt3A_230 = arith.cmpi slt, %add3A_228, %lt3A_229 : i32
      %convert_element_type3A_231 = arith.extui %lt3A_230 : i1 to i32
      %cond3A_232 = arith.constant 0 : i32
      %cond3A_233 = arith.cmpi ne, %convert_element_type3A_231, %cond3A_232 : i32
      scf.if %cond3A_233 {
        %ge3A = arith.constant 6 : i32
        %ge3A_378 = arith.cmpi sge, %add3A_228, %ge3A : i32
        %convert_element_type3A_379 = arith.extui %ge3A_378 : i1 to i32
        %cond3A_380 = arith.constant 0 : i32
        %cond3A_381 = arith.cmpi ne, %convert_element_type3A_379, %cond3A_380 : i32
        scf.if %cond3A_381 {
          %dma_wait3A_394 = arith.constant 0 : i32
          %dma_wait3A_395 = arith.constant 0 : i32
          %dma_wait3A_396 = tpu.memref_slice %arg11[%dma_wait3A_394, %dma_wait3A_395] : memref<98304x128xf32, #tpu.memory_space<hbm>> -> memref<32x128xf32, #tpu.memory_space<hbm>>
          %dma_wait3A_397 = arith.constant 0 : i32
          %dma_wait3A_398 = arith.constant 0 : i32
          %dma_wait3A_399 = tpu.memref_slice %arg11[%dma_wait3A_397, %dma_wait3A_398] : memref<98304x128xf32, #tpu.memory_space<hbm>> -> memref<32x128xf32, #tpu.memory_space<hbm>>
          tpu.wait_dma2 semaphore(%arg42 : memref<!tpu.dma_semaphore, #tpu.memory_space<semaphore_mem>>) src(%arg24 : memref<32x128xf32, #tpu.memory_space<vmem>>) dst(%dma_wait3A_399 : memref<32x128xf32, #tpu.memory_space<hbm>>)
          %dma_wait3A_400 = arith.constant 0 : i32
          %dma_wait3A_401 = arith.constant 0 : i32
          %dma_wait3A_402 = tpu.memref_slice %arg12[%dma_wait3A_400, %dma_wait3A_401] : memref<98304x128xf32, #tpu.memory_space<hbm>> -> memref<32x128xf32, #tpu.memory_space<hbm>>
          %dma_wait3A_403 = arith.constant 0 : i32
          %dma_wait3A_404 = arith.constant 0 : i32
          %dma_wait3A_405 = tpu.memref_slice %arg12[%dma_wait3A_403, %dma_wait3A_404] : memref<98304x128xf32, #tpu.memory_space<hbm>> -> memref<32x128xf32, #tpu.memory_space<hbm>>
          tpu.wait_dma2 semaphore(%arg42 : memref<!tpu.dma_semaphore, #tpu.memory_space<semaphore_mem>>) src(%arg30 : memref<32x128xf32, #tpu.memory_space<vmem>>) dst(%dma_wait3A_405 : memref<32x128xf32, #tpu.memory_space<hbm>>)
        } else {
        }
        %dma_start3A_382 = arith.constant 0 : i32
        %dma_start3A_383 = tpu.memref_slice %arg14[%add3A_228, %dma_start3A_382] : memref<96x32xi32, #tpu.memory_space<vmem>> -> memref<1x32xi32, #tpu.memory_space<vmem>>
        %dma_start3A_384 = tpu.memref_squeeze %dma_start3A_383 : memref<1x32xi32, #tpu.memory_space<vmem>> -> memref<32xi32, #tpu.memory_space<vmem>>
        %dma_start3A_385 = arith.constant 0 : i32
        %dma_start3A_386 = arith.constant 0 : i32
        %dma_start3A_387 = tpu.memref_slice %arg6[%dma_start3A_385, %dma_start3A_386] : memref<10000x128xf32, #tpu.memory_space<hbm>> -> memref<10000x128xf32, #tpu.memory_space<hbm>>
        tpu.enqueue_indirect_dma source(%dma_start3A_387 : memref<10000x128xf32, #tpu.memory_space<hbm>>) target(%arg24 : memref<32x128xf32, #tpu.memory_space<vmem>>) offsets(%dma_start3A_384 : memref<32xi32, #tpu.memory_space<vmem>>) semaphore(%arg36 : memref<!tpu.dma_semaphore, #tpu.memory_space<semaphore_mem>>)
        %dma_start3A_388 = arith.constant 0 : i32
        %dma_start3A_389 = tpu.memref_slice %arg16[%add3A_228, %dma_start3A_388] : memref<96x32xi32, #tpu.memory_space<vmem>> -> memref<1x32xi32, #tpu.memory_space<vmem>>
        %dma_start3A_390 = tpu.memref_squeeze %dma_start3A_389 : memref<1x32xi32, #tpu.memory_space<vmem>> -> memref<32xi32, #tpu.memory_space<vmem>>
        %dma_start3A_391 = arith.constant 0 : i32
        %dma_start3A_392 = arith.constant 0 : i32
        %dma_start3A_393 = tpu.memref_slice %arg7[%dma_start3A_391, %dma_start3A_392] : memref<131072x128xf32, #tpu.memory_space<hbm>> -> memref<131072x128xf32, #tpu.memory_space<hbm>>
        tpu.enqueue_indirect_dma source(%dma_start3A_393 : memref<131072x128xf32, #tpu.memory_space<hbm>>) target(%arg30 : memref<32x128xf32, #tpu.memory_space<vmem>>) offsets(%dma_start3A_390 : memref<32xi32, #tpu.memory_space<vmem>>) semaphore(%arg36 : memref<!tpu.dma_semaphore, #tpu.memory_space<semaphore_mem>>)
      } else {
      }
      %mul3A_234 = arith.constant 6 : i32
      %mul3A_235 = arith.muli %scan3A_164, %mul3A_234 : i32
      %add3A_236 = arith.constant 2 : i32
      %add3A_237 = arith.addi %mul3A_235, %add3A_236 : i32
      %dma_wait3A_238 = arith.constant 0 : i32
      %dma_wait3A_239 = arith.constant 0 : i32
      %dma_wait3A_240 = tpu.memref_slice %arg14[%dma_wait3A_238, %dma_wait3A_239] : memref<96x32xi32, #tpu.memory_space<vmem>> -> memref<1x32xi32, #tpu.memory_space<vmem>>
      %dma_wait3A_241 = tpu.memref_squeeze %dma_wait3A_240 : memref<1x32xi32, #tpu.memory_space<vmem>> -> memref<32xi32, #tpu.memory_space<vmem>>
      %dma_wait3A_242 = arith.constant 0 : i32
      %dma_wait3A_243 = arith.constant 0 : i32
      %dma_wait3A_244 = tpu.memref_slice %arg6[%dma_wait3A_242, %dma_wait3A_243] : memref<10000x128xf32, #tpu.memory_space<hbm>> -> memref<10000x128xf32, #tpu.memory_space<hbm>>
      tpu.wait_indirect_dma semaphore(%arg33 : memref<!tpu.dma_semaphore, #tpu.memory_space<semaphore_mem>>) src(%dma_wait3A_244 : memref<10000x128xf32, #tpu.memory_space<hbm>>) dst(%arg21 : memref<32x128xf32, #tpu.memory_space<vmem>>)
      %dma_wait3A_245 = arith.constant 0 : i32
      %dma_wait3A_246 = arith.constant 0 : i32
      %dma_wait3A_247 = tpu.memref_slice %arg16[%dma_wait3A_245, %dma_wait3A_246] : memref<96x32xi32, #tpu.memory_space<vmem>> -> memref<1x32xi32, #tpu.memory_space<vmem>>
      %dma_wait3A_248 = tpu.memref_squeeze %dma_wait3A_247 : memref<1x32xi32, #tpu.memory_space<vmem>> -> memref<32xi32, #tpu.memory_space<vmem>>
      %dma_wait3A_249 = arith.constant 0 : i32
      %dma_wait3A_250 = arith.constant 0 : i32
      %dma_wait3A_251 = tpu.memref_slice %arg7[%dma_wait3A_249, %dma_wait3A_250] : memref<131072x128xf32, #tpu.memory_space<hbm>> -> memref<131072x128xf32, #tpu.memory_space<hbm>>
      tpu.wait_indirect_dma semaphore(%arg33 : memref<!tpu.dma_semaphore, #tpu.memory_space<semaphore_mem>>) src(%dma_wait3A_251 : memref<131072x128xf32, #tpu.memory_space<hbm>>) dst(%arg27 : memref<32x128xf32, #tpu.memory_space<vmem>>)
      %add3A_252 = arith.addi %mul3A_2, %add3A_237 : i32
      %mul3A_253 = arith.constant 32 : i32
      %mul3A_254 = arith.muli %add3A_252, %mul3A_253 : i32
      %dma_start3A_255 = arith.constant 0 : i32
      %dma_start3A_256 = tpu.memref_slice %arg11[%mul3A_254, %dma_start3A_255] : memref<98304x128xf32, #tpu.memory_space<hbm>> -> memref<32x128xf32, #tpu.memory_space<hbm>>
      %dma_start3A_257 = arith.constant 0 : i32
      %dma_start3A_258 = tpu.memref_slice %arg11[%mul3A_254, %dma_start3A_257] : memref<98304x128xf32, #tpu.memory_space<hbm>> -> memref<32x128xf32, #tpu.memory_space<hbm>>
      tpu.enqueue_dma source(%arg21 : memref<32x128xf32, #tpu.memory_space<vmem>>) target(%dma_start3A_258 : memref<32x128xf32, #tpu.memory_space<hbm>>) target_semaphore(%arg39 : memref<!tpu.dma_semaphore, #tpu.memory_space<semaphore_mem>>)
      %dma_start3A_259 = arith.constant 0 : i32
      %dma_start3A_260 = tpu.memref_slice %arg12[%mul3A_254, %dma_start3A_259] : memref<98304x128xf32, #tpu.memory_space<hbm>> -> memref<32x128xf32, #tpu.memory_space<hbm>>
      %dma_start3A_261 = arith.constant 0 : i32
      %dma_start3A_262 = tpu.memref_slice %arg12[%mul3A_254, %dma_start3A_261] : memref<98304x128xf32, #tpu.memory_space<hbm>> -> memref<32x128xf32, #tpu.memory_space<hbm>>
      tpu.enqueue_dma source(%arg27 : memref<32x128xf32, #tpu.memory_space<vmem>>) target(%dma_start3A_262 : memref<32x128xf32, #tpu.memory_space<hbm>>) target_semaphore(%arg39 : memref<!tpu.dma_semaphore, #tpu.memory_space<semaphore_mem>>)
      %add3A_263 = arith.constant 4 : i32
      %add3A_264 = arith.addi %add3A_237, %add3A_263 : i32
      %lt3A_265 = arith.constant 96 : i32
      %lt3A_266 = arith.cmpi slt, %add3A_264, %lt3A_265 : i32
      %convert_element_type3A_267 = arith.extui %lt3A_266 : i1 to i32
      %cond3A_268 = arith.constant 0 : i32
      %cond3A_269 = arith.cmpi ne, %convert_element_type3A_267, %cond3A_268 : i32
      scf.if %cond3A_269 {
        %ge3A = arith.constant 6 : i32
        %ge3A_378 = arith.cmpi sge, %add3A_264, %ge3A : i32
        %convert_element_type3A_379 = arith.extui %ge3A_378 : i1 to i32
        %cond3A_380 = arith.constant 0 : i32
        %cond3A_381 = arith.cmpi ne, %convert_element_type3A_379, %cond3A_380 : i32
        scf.if %cond3A_381 {
          %dma_wait3A_394 = arith.constant 0 : i32
          %dma_wait3A_395 = arith.constant 0 : i32
          %dma_wait3A_396 = tpu.memref_slice %arg11[%dma_wait3A_394, %dma_wait3A_395] : memref<98304x128xf32, #tpu.memory_space<hbm>> -> memref<32x128xf32, #tpu.memory_space<hbm>>
          %dma_wait3A_397 = arith.constant 0 : i32
          %dma_wait3A_398 = arith.constant 0 : i32
          %dma_wait3A_399 = tpu.memref_slice %arg11[%dma_wait3A_397, %dma_wait3A_398] : memref<98304x128xf32, #tpu.memory_space<hbm>> -> memref<32x128xf32, #tpu.memory_space<hbm>>
          tpu.wait_dma2 semaphore(%arg37 : memref<!tpu.dma_semaphore, #tpu.memory_space<semaphore_mem>>) src(%arg19 : memref<32x128xf32, #tpu.memory_space<vmem>>) dst(%dma_wait3A_399 : memref<32x128xf32, #tpu.memory_space<hbm>>)
          %dma_wait3A_400 = arith.constant 0 : i32
          %dma_wait3A_401 = arith.constant 0 : i32
          %dma_wait3A_402 = tpu.memref_slice %arg12[%dma_wait3A_400, %dma_wait3A_401] : memref<98304x128xf32, #tpu.memory_space<hbm>> -> memref<32x128xf32, #tpu.memory_space<hbm>>
          %dma_wait3A_403 = arith.constant 0 : i32
          %dma_wait3A_404 = arith.constant 0 : i32
          %dma_wait3A_405 = tpu.memref_slice %arg12[%dma_wait3A_403, %dma_wait3A_404] : memref<98304x128xf32, #tpu.memory_space<hbm>> -> memref<32x128xf32, #tpu.memory_space<hbm>>
          tpu.wait_dma2 semaphore(%arg37 : memref<!tpu.dma_semaphore, #tpu.memory_space<semaphore_mem>>) src(%arg25 : memref<32x128xf32, #tpu.memory_space<vmem>>) dst(%dma_wait3A_405 : memref<32x128xf32, #tpu.memory_space<hbm>>)
        } else {
        }
        %dma_start3A_382 = arith.constant 0 : i32
        %dma_start3A_383 = tpu.memref_slice %arg14[%add3A_264, %dma_start3A_382] : memref<96x32xi32, #tpu.memory_space<vmem>> -> memref<1x32xi32, #tpu.memory_space<vmem>>
        %dma_start3A_384 = tpu.memref_squeeze %dma_start3A_383 : memref<1x32xi32, #tpu.memory_space<vmem>> -> memref<32xi32, #tpu.memory_space<vmem>>
        %dma_start3A_385 = arith.constant 0 : i32
        %dma_start3A_386 = arith.constant 0 : i32
        %dma_start3A_387 = tpu.memref_slice %arg6[%dma_start3A_385, %dma_start3A_386] : memref<10000x128xf32, #tpu.memory_space<hbm>> -> memref<10000x128xf32, #tpu.memory_space<hbm>>
        tpu.enqueue_indirect_dma source(%dma_start3A_387 : memref<10000x128xf32, #tpu.memory_space<hbm>>) target(%arg19 : memref<32x128xf32, #tpu.memory_space<vmem>>) offsets(%dma_start3A_384 : memref<32xi32, #tpu.memory_space<vmem>>) semaphore(%arg31 : memref<!tpu.dma_semaphore, #tpu.memory_space<semaphore_mem>>)
        %dma_start3A_388 = arith.constant 0 : i32
        %dma_start3A_389 = tpu.memref_slice %arg16[%add3A_264, %dma_start3A_388] : memref<96x32xi32, #tpu.memory_space<vmem>> -> memref<1x32xi32, #tpu.memory_space<vmem>>
        %dma_start3A_390 = tpu.memref_squeeze %dma_start3A_389 : memref<1x32xi32, #tpu.memory_space<vmem>> -> memref<32xi32, #tpu.memory_space<vmem>>
        %dma_start3A_391 = arith.constant 0 : i32
        %dma_start3A_392 = arith.constant 0 : i32
        %dma_start3A_393 = tpu.memref_slice %arg7[%dma_start3A_391, %dma_start3A_392] : memref<131072x128xf32, #tpu.memory_space<hbm>> -> memref<131072x128xf32, #tpu.memory_space<hbm>>
        tpu.enqueue_indirect_dma source(%dma_start3A_393 : memref<131072x128xf32, #tpu.memory_space<hbm>>) target(%arg25 : memref<32x128xf32, #tpu.memory_space<vmem>>) offsets(%dma_start3A_390 : memref<32xi32, #tpu.memory_space<vmem>>) semaphore(%arg31 : memref<!tpu.dma_semaphore, #tpu.memory_space<semaphore_mem>>)
      } else {
      }
      %mul3A_270 = arith.constant 6 : i32
      %mul3A_271 = arith.muli %scan3A_164, %mul3A_270 : i32
      %add3A_272 = arith.constant 3 : i32
      %add3A_273 = arith.addi %mul3A_271, %add3A_272 : i32
      %dma_wait3A_274 = arith.constant 0 : i32
      %dma_wait3A_275 = arith.constant 0 : i32
      %dma_wait3A_276 = tpu.memref_slice %arg14[%dma_wait3A_274, %dma_wait3A_275] : memref<96x32xi32, #tpu.memory_space<vmem>> -> memref<1x32xi32, #tpu.memory_space<vmem>>
      %dma_wait3A_277 = tpu.memref_squeeze %dma_wait3A_276 : memref<1x32xi32, #tpu.memory_space<vmem>> -> memref<32xi32, #tpu.memory_space<vmem>>
      %dma_wait3A_278 = arith.constant 0 : i32
      %dma_wait3A_279 = arith.constant 0 : i32
      %dma_wait3A_280 = tpu.memref_slice %arg6[%dma_wait3A_278, %dma_wait3A_279] : memref<10000x128xf32, #tpu.memory_space<hbm>> -> memref<10000x128xf32, #tpu.memory_space<hbm>>
      tpu.wait_indirect_dma semaphore(%arg34 : memref<!tpu.dma_semaphore, #tpu.memory_space<semaphore_mem>>) src(%dma_wait3A_280 : memref<10000x128xf32, #tpu.memory_space<hbm>>) dst(%arg22 : memref<32x128xf32, #tpu.memory_space<vmem>>)
      %dma_wait3A_281 = arith.constant 0 : i32
      %dma_wait3A_282 = arith.constant 0 : i32
      %dma_wait3A_283 = tpu.memref_slice %arg16[%dma_wait3A_281, %dma_wait3A_282] : memref<96x32xi32, #tpu.memory_space<vmem>> -> memref<1x32xi32, #tpu.memory_space<vmem>>
      %dma_wait3A_284 = tpu.memref_squeeze %dma_wait3A_283 : memref<1x32xi32, #tpu.memory_space<vmem>> -> memref<32xi32, #tpu.memory_space<vmem>>
      %dma_wait3A_285 = arith.constant 0 : i32
      %dma_wait3A_286 = arith.constant 0 : i32
      %dma_wait3A_287 = tpu.memref_slice %arg7[%dma_wait3A_285, %dma_wait3A_286] : memref<131072x128xf32, #tpu.memory_space<hbm>> -> memref<131072x128xf32, #tpu.memory_space<hbm>>
      tpu.wait_indirect_dma semaphore(%arg34 : memref<!tpu.dma_semaphore, #tpu.memory_space<semaphore_mem>>) src(%dma_wait3A_287 : memref<131072x128xf32, #tpu.memory_space<hbm>>) dst(%arg28 : memref<32x128xf32, #tpu.memory_space<vmem>>)
      %add3A_288 = arith.addi %mul3A_2, %add3A_273 : i32
      %mul3A_289 = arith.constant 32 : i32
      %mul3A_290 = arith.muli %add3A_288, %mul3A_289 : i32
      %dma_start3A_291 = arith.constant 0 : i32
      %dma_start3A_292 = tpu.memref_slice %arg11[%mul3A_290, %dma_start3A_291] : memref<98304x128xf32, #tpu.memory_space<hbm>> -> memref<32x128xf32, #tpu.memory_space<hbm>>
      %dma_start3A_293 = arith.constant 0 : i32
      %dma_start3A_294 = tpu.memref_slice %arg11[%mul3A_290, %dma_start3A_293] : memref<98304x128xf32, #tpu.memory_space<hbm>> -> memref<32x128xf32, #tpu.memory_space<hbm>>
      tpu.enqueue_dma source(%arg22 : memref<32x128xf32, #tpu.memory_space<vmem>>) target(%dma_start3A_294 : memref<32x128xf32, #tpu.memory_space<hbm>>) target_semaphore(%arg40 : memref<!tpu.dma_semaphore, #tpu.memory_space<semaphore_mem>>)
      %dma_start3A_295 = arith.constant 0 : i32
      %dma_start3A_296 = tpu.memref_slice %arg12[%mul3A_290, %dma_start3A_295] : memref<98304x128xf32, #tpu.memory_space<hbm>> -> memref<32x128xf32, #tpu.memory_space<hbm>>
      %dma_start3A_297 = arith.constant 0 : i32
      %dma_start3A_298 = tpu.memref_slice %arg12[%mul3A_290, %dma_start3A_297] : memref<98304x128xf32, #tpu.memory_space<hbm>> -> memref<32x128xf32, #tpu.memory_space<hbm>>
      tpu.enqueue_dma source(%arg28 : memref<32x128xf32, #tpu.memory_space<vmem>>) target(%dma_start3A_298 : memref<32x128xf32, #tpu.memory_space<hbm>>) target_semaphore(%arg40 : memref<!tpu.dma_semaphore, #tpu.memory_space<semaphore_mem>>)
      %add3A_299 = arith.constant 4 : i32
      %add3A_300 = arith.addi %add3A_273, %add3A_299 : i32
      %lt3A_301 = arith.constant 96 : i32
      %lt3A_302 = arith.cmpi slt, %add3A_300, %lt3A_301 : i32
      %convert_element_type3A_303 = arith.extui %lt3A_302 : i1 to i32
      %cond3A_304 = arith.constant 0 : i32
      %cond3A_305 = arith.cmpi ne, %convert_element_type3A_303, %cond3A_304 : i32
      scf.if %cond3A_305 {
        %ge3A = arith.constant 6 : i32
        %ge3A_378 = arith.cmpi sge, %add3A_300, %ge3A : i32
        %convert_element_type3A_379 = arith.extui %ge3A_378 : i1 to i32
        %cond3A_380 = arith.constant 0 : i32
        %cond3A_381 = arith.cmpi ne, %convert_element_type3A_379, %cond3A_380 : i32
        scf.if %cond3A_381 {
          %dma_wait3A_394 = arith.constant 0 : i32
          %dma_wait3A_395 = arith.constant 0 : i32
          %dma_wait3A_396 = tpu.memref_slice %arg11[%dma_wait3A_394, %dma_wait3A_395] : memref<98304x128xf32, #tpu.memory_space<hbm>> -> memref<32x128xf32, #tpu.memory_space<hbm>>
          %dma_wait3A_397 = arith.constant 0 : i32
          %dma_wait3A_398 = arith.constant 0 : i32
          %dma_wait3A_399 = tpu.memref_slice %arg11[%dma_wait3A_397, %dma_wait3A_398] : memref<98304x128xf32, #tpu.memory_space<hbm>> -> memref<32x128xf32, #tpu.memory_space<hbm>>
          tpu.wait_dma2 semaphore(%arg38 : memref<!tpu.dma_semaphore, #tpu.memory_space<semaphore_mem>>) src(%arg20 : memref<32x128xf32, #tpu.memory_space<vmem>>) dst(%dma_wait3A_399 : memref<32x128xf32, #tpu.memory_space<hbm>>)
          %dma_wait3A_400 = arith.constant 0 : i32
          %dma_wait3A_401 = arith.constant 0 : i32
          %dma_wait3A_402 = tpu.memref_slice %arg12[%dma_wait3A_400, %dma_wait3A_401] : memref<98304x128xf32, #tpu.memory_space<hbm>> -> memref<32x128xf32, #tpu.memory_space<hbm>>
          %dma_wait3A_403 = arith.constant 0 : i32
          %dma_wait3A_404 = arith.constant 0 : i32
          %dma_wait3A_405 = tpu.memref_slice %arg12[%dma_wait3A_403, %dma_wait3A_404] : memref<98304x128xf32, #tpu.memory_space<hbm>> -> memref<32x128xf32, #tpu.memory_space<hbm>>
          tpu.wait_dma2 semaphore(%arg38 : memref<!tpu.dma_semaphore, #tpu.memory_space<semaphore_mem>>) src(%arg26 : memref<32x128xf32, #tpu.memory_space<vmem>>) dst(%dma_wait3A_405 : memref<32x128xf32, #tpu.memory_space<hbm>>)
        } else {
        }
        %dma_start3A_382 = arith.constant 0 : i32
        %dma_start3A_383 = tpu.memref_slice %arg14[%add3A_300, %dma_start3A_382] : memref<96x32xi32, #tpu.memory_space<vmem>> -> memref<1x32xi32, #tpu.memory_space<vmem>>
        %dma_start3A_384 = tpu.memref_squeeze %dma_start3A_383 : memref<1x32xi32, #tpu.memory_space<vmem>> -> memref<32xi32, #tpu.memory_space<vmem>>
        %dma_start3A_385 = arith.constant 0 : i32
        %dma_start3A_386 = arith.constant 0 : i32
        %dma_start3A_387 = tpu.memref_slice %arg6[%dma_start3A_385, %dma_start3A_386] : memref<10000x128xf32, #tpu.memory_space<hbm>> -> memref<10000x128xf32, #tpu.memory_space<hbm>>
        tpu.enqueue_indirect_dma source(%dma_start3A_387 : memref<10000x128xf32, #tpu.memory_space<hbm>>) target(%arg20 : memref<32x128xf32, #tpu.memory_space<vmem>>) offsets(%dma_start3A_384 : memref<32xi32, #tpu.memory_space<vmem>>) semaphore(%arg32 : memref<!tpu.dma_semaphore, #tpu.memory_space<semaphore_mem>>)
        %dma_start3A_388 = arith.constant 0 : i32
        %dma_start3A_389 = tpu.memref_slice %arg16[%add3A_300, %dma_start3A_388] : memref<96x32xi32, #tpu.memory_space<vmem>> -> memref<1x32xi32, #tpu.memory_space<vmem>>
        %dma_start3A_390 = tpu.memref_squeeze %dma_start3A_389 : memref<1x32xi32, #tpu.memory_space<vmem>> -> memref<32xi32, #tpu.memory_space<vmem>>
        %dma_start3A_391 = arith.constant 0 : i32
        %dma_start3A_392 = arith.constant 0 : i32
        %dma_start3A_393 = tpu.memref_slice %arg7[%dma_start3A_391, %dma_start3A_392] : memref<131072x128xf32, #tpu.memory_space<hbm>> -> memref<131072x128xf32, #tpu.memory_space<hbm>>
        tpu.enqueue_indirect_dma source(%dma_start3A_393 : memref<131072x128xf32, #tpu.memory_space<hbm>>) target(%arg26 : memref<32x128xf32, #tpu.memory_space<vmem>>) offsets(%dma_start3A_390 : memref<32xi32, #tpu.memory_space<vmem>>) semaphore(%arg32 : memref<!tpu.dma_semaphore, #tpu.memory_space<semaphore_mem>>)
      } else {
      }
      %mul3A_306 = arith.constant 6 : i32
      %mul3A_307 = arith.muli %scan3A_164, %mul3A_306 : i32
      %add3A_308 = arith.constant 4 : i32
      %add3A_309 = arith.addi %mul3A_307, %add3A_308 : i32
      %dma_wait3A_310 = arith.constant 0 : i32
      %dma_wait3A_311 = arith.constant 0 : i32
      %dma_wait3A_312 = tpu.memref_slice %arg14[%dma_wait3A_310, %dma_wait3A_311] : memref<96x32xi32, #tpu.memory_space<vmem>> -> memref<1x32xi32, #tpu.memory_space<vmem>>
      %dma_wait3A_313 = tpu.memref_squeeze %dma_wait3A_312 : memref<1x32xi32, #tpu.memory_space<vmem>> -> memref<32xi32, #tpu.memory_space<vmem>>
      %dma_wait3A_314 = arith.constant 0 : i32
      %dma_wait3A_315 = arith.constant 0 : i32
      %dma_wait3A_316 = tpu.memref_slice %arg6[%dma_wait3A_314, %dma_wait3A_315] : memref<10000x128xf32, #tpu.memory_space<hbm>> -> memref<10000x128xf32, #tpu.memory_space<hbm>>
      tpu.wait_indirect_dma semaphore(%arg35 : memref<!tpu.dma_semaphore, #tpu.memory_space<semaphore_mem>>) src(%dma_wait3A_316 : memref<10000x128xf32, #tpu.memory_space<hbm>>) dst(%arg23 : memref<32x128xf32, #tpu.memory_space<vmem>>)
      %dma_wait3A_317 = arith.constant 0 : i32
      %dma_wait3A_318 = arith.constant 0 : i32
      %dma_wait3A_319 = tpu.memref_slice %arg16[%dma_wait3A_317, %dma_wait3A_318] : memref<96x32xi32, #tpu.memory_space<vmem>> -> memref<1x32xi32, #tpu.memory_space<vmem>>
      %dma_wait3A_320 = tpu.memref_squeeze %dma_wait3A_319 : memref<1x32xi32, #tpu.memory_space<vmem>> -> memref<32xi32, #tpu.memory_space<vmem>>
      %dma_wait3A_321 = arith.constant 0 : i32
      %dma_wait3A_322 = arith.constant 0 : i32
      %dma_wait3A_323 = tpu.memref_slice %arg7[%dma_wait3A_321, %dma_wait3A_322] : memref<131072x128xf32, #tpu.memory_space<hbm>> -> memref<131072x128xf32, #tpu.memory_space<hbm>>
      tpu.wait_indirect_dma semaphore(%arg35 : memref<!tpu.dma_semaphore, #tpu.memory_space<semaphore_mem>>) src(%dma_wait3A_323 : memref<131072x128xf32, #tpu.memory_space<hbm>>) dst(%arg29 : memref<32x128xf32, #tpu.memory_space<vmem>>)
      %add3A_324 = arith.addi %mul3A_2, %add3A_309 : i32
      %mul3A_325 = arith.constant 32 : i32
      %mul3A_326 = arith.muli %add3A_324, %mul3A_325 : i32
      %dma_start3A_327 = arith.constant 0 : i32
      %dma_start3A_328 = tpu.memref_slice %arg11[%mul3A_326, %dma_start3A_327] : memref<98304x128xf32, #tpu.memory_space<hbm>> -> memref<32x128xf32, #tpu.memory_space<hbm>>
      %dma_start3A_329 = arith.constant 0 : i32
      %dma_start3A_330 = tpu.memref_slice %arg11[%mul3A_326, %dma_start3A_329] : memref<98304x128xf32, #tpu.memory_space<hbm>> -> memref<32x128xf32, #tpu.memory_space<hbm>>
      tpu.enqueue_dma source(%arg23 : memref<32x128xf32, #tpu.memory_space<vmem>>) target(%dma_start3A_330 : memref<32x128xf32, #tpu.memory_space<hbm>>) target_semaphore(%arg41 : memref<!tpu.dma_semaphore, #tpu.memory_space<semaphore_mem>>)
      %dma_start3A_331 = arith.constant 0 : i32
      %dma_start3A_332 = tpu.memref_slice %arg12[%mul3A_326, %dma_start3A_331] : memref<98304x128xf32, #tpu.memory_space<hbm>> -> memref<32x128xf32, #tpu.memory_space<hbm>>
      %dma_start3A_333 = arith.constant 0 : i32
      %dma_start3A_334 = tpu.memref_slice %arg12[%mul3A_326, %dma_start3A_333] : memref<98304x128xf32, #tpu.memory_space<hbm>> -> memref<32x128xf32, #tpu.memory_space<hbm>>
      tpu.enqueue_dma source(%arg29 : memref<32x128xf32, #tpu.memory_space<vmem>>) target(%dma_start3A_334 : memref<32x128xf32, #tpu.memory_space<hbm>>) target_semaphore(%arg41 : memref<!tpu.dma_semaphore, #tpu.memory_space<semaphore_mem>>)
      %add3A_335 = arith.constant 4 : i32
      %add3A_336 = arith.addi %add3A_309, %add3A_335 : i32
      %lt3A_337 = arith.constant 96 : i32
      %lt3A_338 = arith.cmpi slt, %add3A_336, %lt3A_337 : i32
      %convert_element_type3A_339 = arith.extui %lt3A_338 : i1 to i32
      %cond3A_340 = arith.constant 0 : i32
      %cond3A_341 = arith.cmpi ne, %convert_element_type3A_339, %cond3A_340 : i32
      scf.if %cond3A_341 {
        %ge3A = arith.constant 6 : i32
        %ge3A_378 = arith.cmpi sge, %add3A_336, %ge3A : i32
        %convert_element_type3A_379 = arith.extui %ge3A_378 : i1 to i32
        %cond3A_380 = arith.constant 0 : i32
        %cond3A_381 = arith.cmpi ne, %convert_element_type3A_379, %cond3A_380 : i32
        scf.if %cond3A_381 {
          %dma_wait3A_394 = arith.constant 0 : i32
          %dma_wait3A_395 = arith.constant 0 : i32
          %dma_wait3A_396 = tpu.memref_slice %arg11[%dma_wait3A_394, %dma_wait3A_395] : memref<98304x128xf32, #tpu.memory_space<hbm>> -> memref<32x128xf32, #tpu.memory_space<hbm>>
          %dma_wait3A_397 = arith.constant 0 : i32
          %dma_wait3A_398 = arith.constant 0 : i32
          %dma_wait3A_399 = tpu.memref_slice %arg11[%dma_wait3A_397, %dma_wait3A_398] : memref<98304x128xf32, #tpu.memory_space<hbm>> -> memref<32x128xf32, #tpu.memory_space<hbm>>
          tpu.wait_dma2 semaphore(%arg39 : memref<!tpu.dma_semaphore, #tpu.memory_space<semaphore_mem>>) src(%arg21 : memref<32x128xf32, #tpu.memory_space<vmem>>) dst(%dma_wait3A_399 : memref<32x128xf32, #tpu.memory_space<hbm>>)
          %dma_wait3A_400 = arith.constant 0 : i32
          %dma_wait3A_401 = arith.constant 0 : i32
          %dma_wait3A_402 = tpu.memref_slice %arg12[%dma_wait3A_400, %dma_wait3A_401] : memref<98304x128xf32, #tpu.memory_space<hbm>> -> memref<32x128xf32, #tpu.memory_space<hbm>>
          %dma_wait3A_403 = arith.constant 0 : i32
          %dma_wait3A_404 = arith.constant 0 : i32
          %dma_wait3A_405 = tpu.memref_slice %arg12[%dma_wait3A_403, %dma_wait3A_404] : memref<98304x128xf32, #tpu.memory_space<hbm>> -> memref<32x128xf32, #tpu.memory_space<hbm>>
          tpu.wait_dma2 semaphore(%arg39 : memref<!tpu.dma_semaphore, #tpu.memory_space<semaphore_mem>>) src(%arg27 : memref<32x128xf32, #tpu.memory_space<vmem>>) dst(%dma_wait3A_405 : memref<32x128xf32, #tpu.memory_space<hbm>>)
        } else {
        }
        %dma_start3A_382 = arith.constant 0 : i32
        %dma_start3A_383 = tpu.memref_slice %arg14[%add3A_336, %dma_start3A_382] : memref<96x32xi32, #tpu.memory_space<vmem>> -> memref<1x32xi32, #tpu.memory_space<vmem>>
        %dma_start3A_384 = tpu.memref_squeeze %dma_start3A_383 : memref<1x32xi32, #tpu.memory_space<vmem>> -> memref<32xi32, #tpu.memory_space<vmem>>
        %dma_start3A_385 = arith.constant 0 : i32
        %dma_start3A_386 = arith.constant 0 : i32
        %dma_start3A_387 = tpu.memref_slice %arg6[%dma_start3A_385, %dma_start3A_386] : memref<10000x128xf32, #tpu.memory_space<hbm>> -> memref<10000x128xf32, #tpu.memory_space<hbm>>
        tpu.enqueue_indirect_dma source(%dma_start3A_387 : memref<10000x128xf32, #tpu.memory_space<hbm>>) target(%arg21 : memref<32x128xf32, #tpu.memory_space<vmem>>) offsets(%dma_start3A_384 : memref<32xi32, #tpu.memory_space<vmem>>) semaphore(%arg33 : memref<!tpu.dma_semaphore, #tpu.memory_space<semaphore_mem>>)
        %dma_start3A_388 = arith.constant 0 : i32
        %dma_start3A_389 = tpu.memref_slice %arg16[%add3A_336, %dma_start3A_388] : memref<96x32xi32, #tpu.memory_space<vmem>> -> memref<1x32xi32, #tpu.memory_space<vmem>>
        %dma_start3A_390 = tpu.memref_squeeze %dma_start3A_389 : memref<1x32xi32, #tpu.memory_space<vmem>> -> memref<32xi32, #tpu.memory_space<vmem>>
        %dma_start3A_391 = arith.constant 0 : i32
        %dma_start3A_392 = arith.constant 0 : i32
        %dma_start3A_393 = tpu.memref_slice %arg7[%dma_start3A_391, %dma_start3A_392] : memref<131072x128xf32, #tpu.memory_space<hbm>> -> memref<131072x128xf32, #tpu.memory_space<hbm>>
        tpu.enqueue_indirect_dma source(%dma_start3A_393 : memref<131072x128xf32, #tpu.memory_space<hbm>>) target(%arg27 : memref<32x128xf32, #tpu.memory_space<vmem>>) offsets(%dma_start3A_390 : memref<32xi32, #tpu.memory_space<vmem>>) semaphore(%arg33 : memref<!tpu.dma_semaphore, #tpu.memory_space<semaphore_mem>>)
      } else {
      }
      %mul3A_342 = arith.constant 6 : i32
      %mul3A_343 = arith.muli %scan3A_164, %mul3A_342 : i32
      %add3A_344 = arith.constant 5 : i32
      %add3A_345 = arith.addi %mul3A_343, %add3A_344 : i32
      %dma_wait3A_346 = arith.constant 0 : i32
      %dma_wait3A_347 = arith.constant 0 : i32
      %dma_wait3A_348 = tpu.memref_slice %arg14[%dma_wait3A_346, %dma_wait3A_347] : memref<96x32xi32, #tpu.memory_space<vmem>> -> memref<1x32xi32, #tpu.memory_space<vmem>>
      %dma_wait3A_349 = tpu.memref_squeeze %dma_wait3A_348 : memref<1x32xi32, #tpu.memory_space<vmem>> -> memref<32xi32, #tpu.memory_space<vmem>>
      %dma_wait3A_350 = arith.constant 0 : i32
      %dma_wait3A_351 = arith.constant 0 : i32
      %dma_wait3A_352 = tpu.memref_slice %arg6[%dma_wait3A_350, %dma_wait3A_351] : memref<10000x128xf32, #tpu.memory_space<hbm>> -> memref<10000x128xf32, #tpu.memory_space<hbm>>
      tpu.wait_indirect_dma semaphore(%arg36 : memref<!tpu.dma_semaphore, #tpu.memory_space<semaphore_mem>>) src(%dma_wait3A_352 : memref<10000x128xf32, #tpu.memory_space<hbm>>) dst(%arg24 : memref<32x128xf32, #tpu.memory_space<vmem>>)
      %dma_wait3A_353 = arith.constant 0 : i32
      %dma_wait3A_354 = arith.constant 0 : i32
      %dma_wait3A_355 = tpu.memref_slice %arg16[%dma_wait3A_353, %dma_wait3A_354] : memref<96x32xi32, #tpu.memory_space<vmem>> -> memref<1x32xi32, #tpu.memory_space<vmem>>
      %dma_wait3A_356 = tpu.memref_squeeze %dma_wait3A_355 : memref<1x32xi32, #tpu.memory_space<vmem>> -> memref<32xi32, #tpu.memory_space<vmem>>
      %dma_wait3A_357 = arith.constant 0 : i32
      %dma_wait3A_358 = arith.constant 0 : i32
      %dma_wait3A_359 = tpu.memref_slice %arg7[%dma_wait3A_357, %dma_wait3A_358] : memref<131072x128xf32, #tpu.memory_space<hbm>> -> memref<131072x128xf32, #tpu.memory_space<hbm>>
      tpu.wait_indirect_dma semaphore(%arg36 : memref<!tpu.dma_semaphore, #tpu.memory_space<semaphore_mem>>) src(%dma_wait3A_359 : memref<131072x128xf32, #tpu.memory_space<hbm>>) dst(%arg30 : memref<32x128xf32, #tpu.memory_space<vmem>>)
      %add3A_360 = arith.addi %mul3A_2, %add3A_345 : i32
      %mul3A_361 = arith.constant 32 : i32
      %mul3A_362 = arith.muli %add3A_360, %mul3A_361 : i32
      %dma_start3A_363 = arith.constant 0 : i32
      %dma_start3A_364 = tpu.memref_slice %arg11[%mul3A_362, %dma_start3A_363] : memref<98304x128xf32, #tpu.memory_space<hbm>> -> memref<32x128xf32, #tpu.memory_space<hbm>>
      %dma_start3A_365 = arith.constant 0 : i32
      %dma_start3A_366 = tpu.memref_slice %arg11[%mul3A_362, %dma_start3A_365] : memref<98304x128xf32, #tpu.memory_space<hbm>> -> memref<32x128xf32, #tpu.memory_space<hbm>>
      tpu.enqueue_dma source(%arg24 : memref<32x128xf32, #tpu.memory_space<vmem>>) target(%dma_start3A_366 : memref<32x128xf32, #tpu.memory_space<hbm>>) target_semaphore(%arg42 : memref<!tpu.dma_semaphore, #tpu.memory_space<semaphore_mem>>)
      %dma_start3A_367 = arith.constant 0 : i32
      %dma_start3A_368 = tpu.memref_slice %arg12[%mul3A_362, %dma_start3A_367] : memref<98304x128xf32, #tpu.memory_space<hbm>> -> memref<32x128xf32, #tpu.memory_space<hbm>>
      %dma_start3A_369 = arith.constant 0 : i32
      %dma_start3A_370 = tpu.memref_slice %arg12[%mul3A_362, %dma_start3A_369] : memref<98304x128xf32, #tpu.memory_space<hbm>> -> memref<32x128xf32, #tpu.memory_space<hbm>>
      tpu.enqueue_dma source(%arg30 : memref<32x128xf32, #tpu.memory_space<vmem>>) target(%dma_start3A_370 : memref<32x128xf32, #tpu.memory_space<hbm>>) target_semaphore(%arg42 : memref<!tpu.dma_semaphore, #tpu.memory_space<semaphore_mem>>)
      %add3A_371 = arith.constant 4 : i32
      %add3A_372 = arith.addi %add3A_345, %add3A_371 : i32
      %lt3A_373 = arith.constant 96 : i32
      %lt3A_374 = arith.cmpi slt, %add3A_372, %lt3A_373 : i32
      %convert_element_type3A_375 = arith.extui %lt3A_374 : i1 to i32
      %cond3A_376 = arith.constant 0 : i32
      %cond3A_377 = arith.cmpi ne, %convert_element_type3A_375, %cond3A_376 : i32
      scf.if %cond3A_377 {
        %ge3A = arith.constant 6 : i32
        %ge3A_378 = arith.cmpi sge, %add3A_372, %ge3A : i32
        %convert_element_type3A_379 = arith.extui %ge3A_378 : i1 to i32
        %cond3A_380 = arith.constant 0 : i32
        %cond3A_381 = arith.cmpi ne, %convert_element_type3A_379, %cond3A_380 : i32
        scf.if %cond3A_381 {
          %dma_wait3A_394 = arith.constant 0 : i32
          %dma_wait3A_395 = arith.constant 0 : i32
          %dma_wait3A_396 = tpu.memref_slice %arg11[%dma_wait3A_394, %dma_wait3A_395] : memref<98304x128xf32, #tpu.memory_space<hbm>> -> memref<32x128xf32, #tpu.memory_space<hbm>>
          %dma_wait3A_397 = arith.constant 0 : i32
          %dma_wait3A_398 = arith.constant 0 : i32
          %dma_wait3A_399 = tpu.memref_slice %arg11[%dma_wait3A_397, %dma_wait3A_398] : memref<98304x128xf32, #tpu.memory_space<hbm>> -> memref<32x128xf32, #tpu.memory_space<hbm>>
          tpu.wait_dma2 semaphore(%arg40 : memref<!tpu.dma_semaphore, #tpu.memory_space<semaphore_mem>>) src(%arg22 : memref<32x128xf32, #tpu.memory_space<vmem>>) dst(%dma_wait3A_399 : memref<32x128xf32, #tpu.memory_space<hbm>>)
          %dma_wait3A_400 = arith.constant 0 : i32
          %dma_wait3A_401 = arith.constant 0 : i32
          %dma_wait3A_402 = tpu.memref_slice %arg12[%dma_wait3A_400, %dma_wait3A_401] : memref<98304x128xf32, #tpu.memory_space<hbm>> -> memref<32x128xf32, #tpu.memory_space<hbm>>
          %dma_wait3A_403 = arith.constant 0 : i32
          %dma_wait3A_404 = arith.constant 0 : i32
          %dma_wait3A_405 = tpu.memref_slice %arg12[%dma_wait3A_403, %dma_wait3A_404] : memref<98304x128xf32, #tpu.memory_space<hbm>> -> memref<32x128xf32, #tpu.memory_space<hbm>>
          tpu.wait_dma2 semaphore(%arg40 : memref<!tpu.dma_semaphore, #tpu.memory_space<semaphore_mem>>) src(%arg28 : memref<32x128xf32, #tpu.memory_space<vmem>>) dst(%dma_wait3A_405 : memref<32x128xf32, #tpu.memory_space<hbm>>)
        } else {
        }
        %dma_start3A_382 = arith.constant 0 : i32
        %dma_start3A_383 = tpu.memref_slice %arg14[%add3A_372, %dma_start3A_382] : memref<96x32xi32, #tpu.memory_space<vmem>> -> memref<1x32xi32, #tpu.memory_space<vmem>>
        %dma_start3A_384 = tpu.memref_squeeze %dma_start3A_383 : memref<1x32xi32, #tpu.memory_space<vmem>> -> memref<32xi32, #tpu.memory_space<vmem>>
        %dma_start3A_385 = arith.constant 0 : i32
        %dma_start3A_386 = arith.constant 0 : i32
        %dma_start3A_387 = tpu.memref_slice %arg6[%dma_start3A_385, %dma_start3A_386] : memref<10000x128xf32, #tpu.memory_space<hbm>> -> memref<10000x128xf32, #tpu.memory_space<hbm>>
        tpu.enqueue_indirect_dma source(%dma_start3A_387 : memref<10000x128xf32, #tpu.memory_space<hbm>>) target(%arg22 : memref<32x128xf32, #tpu.memory_space<vmem>>) offsets(%dma_start3A_384 : memref<32xi32, #tpu.memory_space<vmem>>) semaphore(%arg34 : memref<!tpu.dma_semaphore, #tpu.memory_space<semaphore_mem>>)
        %dma_start3A_388 = arith.constant 0 : i32
        %dma_start3A_389 = tpu.memref_slice %arg16[%add3A_372, %dma_start3A_388] : memref<96x32xi32, #tpu.memory_space<vmem>> -> memref<1x32xi32, #tpu.memory_space<vmem>>
        %dma_start3A_390 = tpu.memref_squeeze %dma_start3A_389 : memref<1x32xi32, #tpu.memory_space<vmem>> -> memref<32xi32, #tpu.memory_space<vmem>>
        %dma_start3A_391 = arith.constant 0 : i32
        %dma_start3A_392 = arith.constant 0 : i32
        %dma_start3A_393 = tpu.memref_slice %arg7[%dma_start3A_391, %dma_start3A_392] : memref<131072x128xf32, #tpu.memory_space<hbm>> -> memref<131072x128xf32, #tpu.memory_space<hbm>>
        tpu.enqueue_indirect_dma source(%dma_start3A_393 : memref<131072x128xf32, #tpu.memory_space<hbm>>) target(%arg28 : memref<32x128xf32, #tpu.memory_space<vmem>>) offsets(%dma_start3A_390 : memref<32xi32, #tpu.memory_space<vmem>>) semaphore(%arg34 : memref<!tpu.dma_semaphore, #tpu.memory_space<semaphore_mem>>)
      } else {
      }
    }
    %scan3A_91 = arith.constant 16 : i32
    %dma_wait3A_92 = arith.constant 0 : i32
    %dma_wait3A_93 = arith.constant 0 : i32
    %dma_wait3A_94 = tpu.memref_slice %arg11[%dma_wait3A_92, %dma_wait3A_93] : memref<98304x128xf32, #tpu.memory_space<hbm>> -> memref<32x128xf32, #tpu.memory_space<hbm>>
    %dma_wait3A_95 = arith.constant 0 : i32
    %dma_wait3A_96 = arith.constant 0 : i32
    %dma_wait3A_97 = tpu.memref_slice %arg11[%dma_wait3A_95, %dma_wait3A_96] : memref<98304x128xf32, #tpu.memory_space<hbm>> -> memref<32x128xf32, #tpu.memory_space<hbm>>
    tpu.wait_dma2 semaphore(%arg37 : memref<!tpu.dma_semaphore, #tpu.memory_space<semaphore_mem>>) src(%arg19 : memref<32x128xf32, #tpu.memory_space<vmem>>) dst(%dma_wait3A_97 : memref<32x128xf32, #tpu.memory_space<hbm>>)
    %dma_wait3A_98 = arith.constant 0 : i32
    %dma_wait3A_99 = arith.constant 0 : i32
    %dma_wait3A_100 = tpu.memref_slice %arg12[%dma_wait3A_98, %dma_wait3A_99] : memref<98304x128xf32, #tpu.memory_space<hbm>> -> memref<32x128xf32, #tpu.memory_space<hbm>>
    %dma_wait3A_101 = arith.constant 0 : i32
    %dma_wait3A_102 = arith.constant 0 : i32
    %dma_wait3A_103 = tpu.memref_slice %arg12[%dma_wait3A_101, %dma_wait3A_102] : memref<98304x128xf32, #tpu.memory_space<hbm>> -> memref<32x128xf32, #tpu.memory_space<hbm>>
    tpu.wait_dma2 semaphore(%arg37 : memref<!tpu.dma_semaphore, #tpu.memory_space<semaphore_mem>>) src(%arg25 : memref<32x128xf32, #tpu.memory_space<vmem>>) dst(%dma_wait3A_103 : memref<32x128xf32, #tpu.memory_space<hbm>>)
    %dma_wait3A_104 = arith.constant 0 : i32
    %dma_wait3A_105 = arith.constant 0 : i32
    %dma_wait3A_106 = tpu.memref_slice %arg11[%dma_wait3A_104, %dma_wait3A_105] : memref<98304x128xf32, #tpu.memory_space<hbm>> -> memref<32x128xf32, #tpu.memory_space<hbm>>
    %dma_wait3A_107 = arith.constant 0 : i32
    %dma_wait3A_108 = arith.constant 0 : i32
    %dma_wait3A_109 = tpu.memref_slice %arg11[%dma_wait3A_107, %dma_wait3A_108] : memref<98304x128xf32, #tpu.memory_space<hbm>> -> memref<32x128xf32, #tpu.memory_space<hbm>>
    tpu.wait_dma2 semaphore(%arg38 : memref<!tpu.dma_semaphore, #tpu.memory_space<semaphore_mem>>) src(%arg20 : memref<32x128xf32, #tpu.memory_space<vmem>>) dst(%dma_wait3A_109 : memref<32x128xf32, #tpu.memory_space<hbm>>)
    %dma_wait3A_110 = arith.constant 0 : i32
    %dma_wait3A_111 = arith.constant 0 : i32
    %dma_wait3A_112 = tpu.memref_slice %arg12[%dma_wait3A_110, %dma_wait3A_111] : memref<98304x128xf32, #tpu.memory_space<hbm>> -> memref<32x128xf32, #tpu.memory_space<hbm>>
    %dma_wait3A_113 = arith.constant 0 : i32
    %dma_wait3A_114 = arith.constant 0 : i32
    %dma_wait3A_115 = tpu.memref_slice %arg12[%dma_wait3A_113, %dma_wait3A_114] : memref<98304x128xf32, #tpu.memory_space<hbm>> -> memref<32x128xf32, #tpu.memory_space<hbm>>
    tpu.wait_dma2 semaphore(%arg38 : memref<!tpu.dma_semaphore, #tpu.memory_space<semaphore_mem>>) src(%arg26 : memref<32x128xf32, #tpu.memory_space<vmem>>) dst(%dma_wait3A_115 : memref<32x128xf32, #tpu.memory_space<hbm>>)
    %dma_wait3A_116 = arith.constant 0 : i32
    %dma_wait3A_117 = arith.constant 0 : i32
    %dma_wait3A_118 = tpu.memref_slice %arg11[%dma_wait3A_116, %dma_wait3A_117] : memref<98304x128xf32, #tpu.memory_space<hbm>> -> memref<32x128xf32, #tpu.memory_space<hbm>>
    %dma_wait3A_119 = arith.constant 0 : i32
    %dma_wait3A_120 = arith.constant 0 : i32
    %dma_wait3A_121 = tpu.memref_slice %arg11[%dma_wait3A_119, %dma_wait3A_120] : memref<98304x128xf32, #tpu.memory_space<hbm>> -> memref<32x128xf32, #tpu.memory_space<hbm>>
    tpu.wait_dma2 semaphore(%arg39 : memref<!tpu.dma_semaphore, #tpu.memory_space<semaphore_mem>>) src(%arg21 : memref<32x128xf32, #tpu.memory_space<vmem>>) dst(%dma_wait3A_121 : memref<32x128xf32, #tpu.memory_space<hbm>>)
    %dma_wait3A_122 = arith.constant 0 : i32
    %dma_wait3A_123 = arith.constant 0 : i32
    %dma_wait3A_124 = tpu.memref_slice %arg12[%dma_wait3A_122, %dma_wait3A_123] : memref<98304x128xf32, #tpu.memory_space<hbm>> -> memref<32x128xf32, #tpu.memory_space<hbm>>
    %dma_wait3A_125 = arith.constant 0 : i32
    %dma_wait3A_126 = arith.constant 0 : i32
    %dma_wait3A_127 = tpu.memref_slice %arg12[%dma_wait3A_125, %dma_wait3A_126] : memref<98304x128xf32, #tpu.memory_space<hbm>> -> memref<32x128xf32, #tpu.memory_space<hbm>>
    tpu.wait_dma2 semaphore(%arg39 : memref<!tpu.dma_semaphore, #tpu.memory_space<semaphore_mem>>) src(%arg27 : memref<32x128xf32, #tpu.memory_space<vmem>>) dst(%dma_wait3A_127 : memref<32x128xf32, #tpu.memory_space<hbm>>)
    %dma_wait3A_128 = arith.constant 0 : i32
    %dma_wait3A_129 = arith.constant 0 : i32
    %dma_wait3A_130 = tpu.memref_slice %arg11[%dma_wait3A_128, %dma_wait3A_129] : memref<98304x128xf32, #tpu.memory_space<hbm>> -> memref<32x128xf32, #tpu.memory_space<hbm>>
    %dma_wait3A_131 = arith.constant 0 : i32
    %dma_wait3A_132 = arith.constant 0 : i32
    %dma_wait3A_133 = tpu.memref_slice %arg11[%dma_wait3A_131, %dma_wait3A_132] : memref<98304x128xf32, #tpu.memory_space<hbm>> -> memref<32x128xf32, #tpu.memory_space<hbm>>
    tpu.wait_dma2 semaphore(%arg40 : memref<!tpu.dma_semaphore, #tpu.memory_space<semaphore_mem>>) src(%arg22 : memref<32x128xf32, #tpu.memory_space<vmem>>) dst(%dma_wait3A_133 : memref<32x128xf32, #tpu.memory_space<hbm>>)
    %dma_wait3A_134 = arith.constant 0 : i32
    %dma_wait3A_135 = arith.constant 0 : i32
    %dma_wait3A_136 = tpu.memref_slice %arg12[%dma_wait3A_134, %dma_wait3A_135] : memref<98304x128xf32, #tpu.memory_space<hbm>> -> memref<32x128xf32, #tpu.memory_space<hbm>>
    %dma_wait3A_137 = arith.constant 0 : i32
    %dma_wait3A_138 = arith.constant 0 : i32
    %dma_wait3A_139 = tpu.memref_slice %arg12[%dma_wait3A_137, %dma_wait3A_138] : memref<98304x128xf32, #tpu.memory_space<hbm>> -> memref<32x128xf32, #tpu.memory_space<hbm>>
    tpu.wait_dma2 semaphore(%arg40 : memref<!tpu.dma_semaphore, #tpu.memory_space<semaphore_mem>>) src(%arg28 : memref<32x128xf32, #tpu.memory_space<vmem>>) dst(%dma_wait3A_139 : memref<32x128xf32, #tpu.memory_space<hbm>>)
    %dma_wait3A_140 = arith.constant 0 : i32
    %dma_wait3A_141 = arith.constant 0 : i32
    %dma_wait3A_142 = tpu.memref_slice %arg11[%dma_wait3A_140, %dma_wait3A_141] : memref<98304x128xf32, #tpu.memory_space<hbm>> -> memref<32x128xf32, #tpu.memory_space<hbm>>
    %dma_wait3A_143 = arith.constant 0 : i32
    %dma_wait3A_144 = arith.constant 0 : i32
    %dma_wait3A_145 = tpu.memref_slice %arg11[%dma_wait3A_143, %dma_wait3A_144] : memref<98304x128xf32, #tpu.memory_space<hbm>> -> memref<32x128xf32, #tpu.memory_space<hbm>>
    tpu.wait_dma2 semaphore(%arg41 : memref<!tpu.dma_semaphore, #tpu.memory_space<semaphore_mem>>) src(%arg23 : memref<32x128xf32, #tpu.memory_space<vmem>>) dst(%dma_wait3A_145 : memref<32x128xf32, #tpu.memory_space<hbm>>)
    %dma_wait3A_146 = arith.constant 0 : i32
    %dma_wait3A_147 = arith.constant 0 : i32
    %dma_wait3A_148 = tpu.memref_slice %arg12[%dma_wait3A_146, %dma_wait3A_147] : memref<98304x128xf32, #tpu.memory_space<hbm>> -> memref<32x128xf32, #tpu.memory_space<hbm>>
    %dma_wait3A_149 = arith.constant 0 : i32
    %dma_wait3A_150 = arith.constant 0 : i32
    %dma_wait3A_151 = tpu.memref_slice %arg12[%dma_wait3A_149, %dma_wait3A_150] : memref<98304x128xf32, #tpu.memory_space<hbm>> -> memref<32x128xf32, #tpu.memory_space<hbm>>
    tpu.wait_dma2 semaphore(%arg41 : memref<!tpu.dma_semaphore, #tpu.memory_space<semaphore_mem>>) src(%arg29 : memref<32x128xf32, #tpu.memory_space<vmem>>) dst(%dma_wait3A_151 : memref<32x128xf32, #tpu.memory_space<hbm>>)
    %dma_wait3A_152 = arith.constant 0 : i32
    %dma_wait3A_153 = arith.constant 0 : i32
    %dma_wait3A_154 = tpu.memref_slice %arg11[%dma_wait3A_152, %dma_wait3A_153] : memref<98304x128xf32, #tpu.memory_space<hbm>> -> memref<32x128xf32, #tpu.memory_space<hbm>>
    %dma_wait3A_155 = arith.constant 0 : i32
    %dma_wait3A_156 = arith.constant 0 : i32
    %dma_wait3A_157 = tpu.memref_slice %arg11[%dma_wait3A_155, %dma_wait3A_156] : memref<98304x128xf32, #tpu.memory_space<hbm>> -> memref<32x128xf32, #tpu.memory_space<hbm>>
    tpu.wait_dma2 semaphore(%arg42 : memref<!tpu.dma_semaphore, #tpu.memory_space<semaphore_mem>>) src(%arg24 : memref<32x128xf32, #tpu.memory_space<vmem>>) dst(%dma_wait3A_157 : memref<32x128xf32, #tpu.memory_space<hbm>>)
    %dma_wait3A_158 = arith.constant 0 : i32
    %dma_wait3A_159 = arith.constant 0 : i32
    %dma_wait3A_160 = tpu.memref_slice %arg12[%dma_wait3A_158, %dma_wait3A_159] : memref<98304x128xf32, #tpu.memory_space<hbm>> -> memref<32x128xf32, #tpu.memory_space<hbm>>
    %dma_wait3A_161 = arith.constant 0 : i32
    %dma_wait3A_162 = arith.constant 0 : i32
    %dma_wait3A_163 = tpu.memref_slice %arg12[%dma_wait3A_161, %dma_wait3A_162] : memref<98304x128xf32, #tpu.memory_space<hbm>> -> memref<32x128xf32, #tpu.memory_space<hbm>>
    tpu.wait_dma2 semaphore(%arg42 : memref<!tpu.dma_semaphore, #tpu.memory_space<semaphore_mem>>) src(%arg30 : memref<32x128xf32, #tpu.memory_space<vmem>>) dst(%dma_wait3A_163 : memref<32x128xf32, #tpu.memory_space<hbm>>)
    return
  }
}

module attributes {stable_mosaic.version = 14 : i64} {
  func.func @_repack_body(%arg0: i32, %arg1: memref<16x1024xf32, #tpu.memory_space<vmem>>, %arg2: memref<16x1024xf32, #tpu.memory_space<vmem>>, %arg3: memref<16x1024xf32, #tpu.memory_space<vmem>>, %arg4: memref<16x1024xf32, #tpu.memory_space<vmem>>, %arg5: memref<16x1024xf32, #tpu.memory_space<vmem>>, %arg6: memref<128x128xf32, #tpu.memory_space<vmem>>, %arg7: memref<1024x128xf32, #tpu.memory_space<vmem>>) attributes {dimension_semantics = [#tpu.dimension_semantics<arbitrary>], iteration_bounds = array<i64: 128>, scalar_prefetch = 0 : i64, scratch_operands = 0 : i64, tpu.core_type = #tpu.core_type<tc>, window_params = [{transform_indices = @transform_0, window_bounds = array<i64: 16, 1024>}, {transform_indices = @transform_1, window_bounds = array<i64: 16, 1024>}, {transform_indices = @transform_2, window_bounds = array<i64: 16, 1024>}, {transform_indices = @transform_3, window_bounds = array<i64: 16, 1024>}, {transform_indices = @transform_4, window_bounds = array<i64: 16, 1024>}, {pipeline_mode = #tpu.pipeline_mode<synchronous>, transform_indices = @transform_5, window_bounds = array<i64: 128, 128>}, {transform_indices = @transform_6, window_bounds = array<i64: 1024, 128>}]} {
    %get3A = arith.constant 0 : index
    %get3A_0 = arith.constant 0 : index
    %get3A_1 = vector.load %arg1[%get3A, %get3A_0] : memref<16x1024xf32, #tpu.memory_space<vmem>>, vector<16x1024xf32>
    %get3A_2 = arith.constant 0 : index
    %get3A_3 = arith.constant 0 : index
    %get3A_4 = vector.load %arg6[%get3A_2, %get3A_3] : memref<128x128xf32, #tpu.memory_space<vmem>>, vector<16x128xf32>
    %dot_general3A = arith.constant dense<0.000000e+00> : vector<1024x128xf32>
    %dot_general3A_5 = tpu.matmul %get3A_1, %get3A_4, %dot_general3A {dimension_numbers = #tpu.dot_dimension_numbers<[0], [0], [1], [1], [0, 1, 1, 1], [], []>, transpose_lhs_hint = false} : vector<16x1024xf32>, vector<16x128xf32>, vector<1024x128xf32> -> vector<1024x128xf32>
    %get3A_6 = arith.constant 0 : index
    %get3A_7 = arith.constant 0 : index
    %get3A_8 = vector.load %arg2[%get3A_6, %get3A_7] : memref<16x1024xf32, #tpu.memory_space<vmem>>, vector<16x1024xf32>
    %get3A_9 = arith.constant 16 : index
    %get3A_10 = arith.constant 0 : index
    %get3A_11 = vector.load %arg6[%get3A_9, %get3A_10] : memref<128x128xf32, #tpu.memory_space<vmem>>, vector<16x128xf32>
    %dot_general3A_12 = arith.constant dense<0.000000e+00> : vector<1024x128xf32>
    %dot_general3A_13 = tpu.matmul %get3A_8, %get3A_11, %dot_general3A_12 {dimension_numbers = #tpu.dot_dimension_numbers<[0], [0], [1], [1], [0, 1, 1, 1], [], []>, transpose_lhs_hint = false} : vector<16x1024xf32>, vector<16x128xf32>, vector<1024x128xf32> -> vector<1024x128xf32>
    %add3A = arith.addf %dot_general3A_5, %dot_general3A_13 : vector<1024x128xf32>
    %get3A_14 = arith.constant 0 : index
    %get3A_15 = arith.constant 0 : index
    %get3A_16 = vector.load %arg3[%get3A_14, %get3A_15] : memref<16x1024xf32, #tpu.memory_space<vmem>>, vector<16x1024xf32>
    %get3A_17 = arith.constant 32 : index
    %get3A_18 = arith.constant 0 : index
    %get3A_19 = vector.load %arg6[%get3A_17, %get3A_18] : memref<128x128xf32, #tpu.memory_space<vmem>>, vector<16x128xf32>
    %dot_general3A_20 = arith.constant dense<0.000000e+00> : vector<1024x128xf32>
    %dot_general3A_21 = tpu.matmul %get3A_16, %get3A_19, %dot_general3A_20 {dimension_numbers = #tpu.dot_dimension_numbers<[0], [0], [1], [1], [0, 1, 1, 1], [], []>, transpose_lhs_hint = false} : vector<16x1024xf32>, vector<16x128xf32>, vector<1024x128xf32> -> vector<1024x128xf32>
    %add3A_22 = arith.addf %add3A, %dot_general3A_21 : vector<1024x128xf32>
    %get3A_23 = arith.constant 0 : index
    %get3A_24 = arith.constant 0 : index
    %get3A_25 = vector.load %arg4[%get3A_23, %get3A_24] : memref<16x1024xf32, #tpu.memory_space<vmem>>, vector<16x1024xf32>
    %get3A_26 = arith.constant 48 : index
    %get3A_27 = arith.constant 0 : index
    %get3A_28 = vector.load %arg6[%get3A_26, %get3A_27] : memref<128x128xf32, #tpu.memory_space<vmem>>, vector<16x128xf32>
    %dot_general3A_29 = arith.constant dense<0.000000e+00> : vector<1024x128xf32>
    %dot_general3A_30 = tpu.matmul %get3A_25, %get3A_28, %dot_general3A_29 {dimension_numbers = #tpu.dot_dimension_numbers<[0], [0], [1], [1], [0, 1, 1, 1], [], []>, transpose_lhs_hint = false} : vector<16x1024xf32>, vector<16x128xf32>, vector<1024x128xf32> -> vector<1024x128xf32>
    %add3A_31 = arith.addf %add3A_22, %dot_general3A_30 : vector<1024x128xf32>
    %get3A_32 = arith.constant 0 : index
    %get3A_33 = arith.constant 0 : index
    %get3A_34 = vector.load %arg5[%get3A_32, %get3A_33] : memref<16x1024xf32, #tpu.memory_space<vmem>>, vector<16x1024xf32>
    %mul3A = arith.constant 1024 : i32
    %mul3A_35 = arith.muli %arg0, %mul3A : i32
    %add3A_36 = arith.constant 524288 : i32
    %add3A_37 = arith.addi %add3A_36, %mul3A_35 : i32
    %iota3A = tpu.iota {dimensions = array<i32: 1>} : vector<16x1024xi32>
    %add3A_38 = vector.broadcast %add3A_37 : i32 to vector<16x1024xi32>
    %add3A_39 = arith.addi %add3A_38, %iota3A : vector<16x1024xi32>
    %lt3A = arith.constant 640000 : i32
    %lt3A_40 = vector.broadcast %lt3A : i32 to vector<16x1024xi32>
    %lt3A_41 = arith.cmpi slt, %add3A_39, %lt3A_40 : vector<16x1024xi32>
    %jit3A = arith.constant 0.000000e+00 : f32
    %broadcast_in_dim3A = vector.broadcast %jit3A : f32 to vector<16x1024xf32>
    %select_n3A = arith.select %lt3A_41, %get3A_34, %broadcast_in_dim3A : vector<16x1024xi1>, vector<16x1024xf32>
    %get3A_42 = arith.constant 64 : index
    %get3A_43 = arith.constant 0 : index
    %get3A_44 = vector.load %arg6[%get3A_42, %get3A_43] : memref<128x128xf32, #tpu.memory_space<vmem>>, vector<16x128xf32>
    %dot_general3A_45 = arith.constant dense<0.000000e+00> : vector<1024x128xf32>
    %dot_general3A_46 = tpu.matmul %select_n3A, %get3A_44, %dot_general3A_45 {dimension_numbers = #tpu.dot_dimension_numbers<[0], [0], [1], [1], [0, 1, 1, 1], [], []>, transpose_lhs_hint = false} : vector<16x1024xf32>, vector<16x128xf32>, vector<1024x128xf32> -> vector<1024x128xf32>
    %add3A_47 = arith.addf %add3A_31, %dot_general3A_46 : vector<1024x128xf32>
    %swap3A = arith.constant 0 : index
    %swap3A_48 = arith.constant 0 : index
    %swap3A_49 = vector.load %arg7[%swap3A, %swap3A_48] : memref<1024x128xf32, #tpu.memory_space<vmem>>, vector<1024x128xf32>
    tpu.vector_store %arg7[%swap3A, %swap3A_48], %add3A_47 {strides = array<i32>} : memref<1024x128xf32, #tpu.memory_space<vmem>>, vector<1024x128xf32>,
    return
  }
  func.func @transform_0(%arg0: i32) -> (i32, i32) {
    %add3A = arith.constant 0 : i32
    %add3A_0 = arith.addi %add3A, %arg0 : i32
    %c0_i32 = arith.constant 0 : i32
    %c0_i32_1 = arith.constant 0 : i32
    return %c0_i32, %add3A_0 : i32, i32
  }
  func.func @transform_1(%arg0: i32) -> (i32, i32) {
    %add3A = arith.constant 128 : i32
    %add3A_0 = arith.addi %add3A, %arg0 : i32
    %c0_i32 = arith.constant 0 : i32
    %c0_i32_1 = arith.constant 0 : i32
    return %c0_i32, %add3A_0 : i32, i32
  }
  func.func @transform_2(%arg0: i32) -> (i32, i32) {
    %add3A = arith.constant 256 : i32
    %add3A_0 = arith.addi %add3A, %arg0 : i32
    %c0_i32 = arith.constant 0 : i32
    %c0_i32_1 = arith.constant 0 : i32
    return %c0_i32, %add3A_0 : i32, i32
  }
  func.func @transform_3(%arg0: i32) -> (i32, i32) {
    %add3A = arith.constant 384 : i32
    %add3A_0 = arith.addi %add3A, %arg0 : i32
    %c0_i32 = arith.constant 0 : i32
    %c0_i32_1 = arith.constant 0 : i32
    return %c0_i32, %add3A_0 : i32, i32
  }
  func.func @transform_4(%arg0: i32) -> (i32, i32) {
    %add3A = arith.constant 512 : i32
    %add3A_0 = arith.addi %add3A, %arg0 : i32
    %c0_i32 = arith.constant 0 : i32
    %c0_i32_1 = arith.constant 0 : i32
    return %c0_i32, %add3A_0 : i32, i32
  }
  func.func @transform_5(%arg0: i32) -> (i32, i32) {
    %c0_i32 = arith.constant 0 : i32
    %c0_i32_0 = arith.constant 0 : i32
    %c0_i32_1 = arith.constant 0 : i32
    return %c0_i32, %c0_i32_0 : i32, i32
  }
  func.func @transform_6(%arg0: i32) -> (i32, i32) {
    %c0_i32 = arith.constant 0 : i32
    %c0_i32_0 = arith.constant 0 : i32
    return %arg0, %c0_i32 : i32, i32
  }
}

module attributes {stable_mosaic.version = 14 : i64} {
  func.func @_add_body(%arg0: i32, %arg1: memref<2000x128xf32, #tpu.memory_space<vmem>>, %arg2: memref<2000x128xf32, #tpu.memory_space<vmem>>, %arg3: memref<2000x128xf32, #tpu.memory_space<vmem>>) attributes {dimension_semantics = [#tpu.dimension_semantics<arbitrary>], iteration_bounds = array<i64: 5>, scalar_prefetch = 0 : i64, scratch_operands = 0 : i64, tpu.core_type = #tpu.core_type<tc>, window_params = [{transform_indices = @transform_0, window_bounds = array<i64: 2000, 128>}, {transform_indices = @transform_1, window_bounds = array<i64: 2000, 128>}, {transform_indices = @transform_2, window_bounds = array<i64: 2000, 128>}]} {
    %get3A = arith.constant 0 : index
    %get3A_0 = arith.constant 0 : index
    %get3A_1 = vector.load %arg1[%get3A, %get3A_0] : memref<2000x128xf32, #tpu.memory_space<vmem>>, vector<2000x128xf32>
    %get3A_2 = arith.constant 0 : index
    %get3A_3 = arith.constant 0 : index
    %get3A_4 = vector.load %arg2[%get3A_2, %get3A_3] : memref<2000x128xf32, #tpu.memory_space<vmem>>, vector<2000x128xf32>
    %add3A = arith.addf %get3A_1, %get3A_4 : vector<2000x128xf32>
    %swap3A = arith.constant 0 : index
    %swap3A_5 = arith.constant 0 : index
    %swap3A_6 = vector.load %arg3[%swap3A, %swap3A_5] : memref<2000x128xf32, #tpu.memory_space<vmem>>, vector<2000x128xf32>
    tpu.vector_store %arg3[%swap3A, %swap3A_5], %add3A {strides = array<i32>} : memref<2000x128xf32, #tpu.memory_space<vmem>>, vector<2000x128xf32>,
    return
  }
  func.func @transform_0(%arg0: i32) -> (i32, i32) {
    %c0_i32 = arith.constant 0 : i32
    %c0_i32_0 = arith.constant 0 : i32
    return %arg0, %c0_i32 : i32, i32
  }
  func.func @transform_1(%arg0: i32) -> (i32, i32) {
    %c0_i32 = arith.constant 0 : i32
    %c0_i32_0 = arith.constant 0 : i32
    return %arg0, %c0_i32 : i32, i32
  }
  func.func @transform_2(%arg0: i32) -> (i32, i32) {
    %c0_i32 = arith.constant 0 : i32
    %c0_i32_0 = arith.constant 0 : i32
    return %arg0, %c0_i32 : i32, i32
  }
}

module attributes {stable_mosaic.version = 14 : i64} {
  func.func @_dense_body(%arg0: i32, %arg1: memref<128x128xf32, #tpu.memory_space<vmem>>, %arg2: memref<4096x128xf32, #tpu.memory_space<vmem>>, %arg3: memref<4096x128xf32, #tpu.memory_space<vmem>>, %arg4: memref<128x32xi32, #tpu.memory_space<vmem>>, %arg5: memref<128x1xf32, #tpu.memory_space<vmem>>, %arg6: memref<128x32xf32, #tpu.memory_space<vmem>>, %arg7: memref<1x128xf32, #tpu.memory_space<vmem>>, %arg8: memref<1x128xf32, #tpu.memory_space<vmem>>, %arg9: memref<128x128xf32, #tpu.memory_space<vmem>>, %arg10: memref<128x128xf32, #tpu.memory_space<vmem>>, %arg11: memref<128x128xf32, #tpu.memory_space<vmem>>, %arg12: memref<128x128xf32, #tpu.memory_space<vmem>>, %arg13: memref<128x128xf32, #tpu.memory_space<vmem>>, %arg14: memref<128x128xf32, #tpu.memory_space<vmem>>, %arg15: memref<128x128xf32, #tpu.memory_space<vmem>>, %arg16: memref<128x128xf32, #tpu.memory_space<vmem>>, %arg17: memref<128x128xf32, #tpu.memory_space<vmem>>, %arg18: memref<128x128xf32, #tpu.memory_space<vmem>>, %arg19: memref<128x128xf32, #tpu.memory_space<vmem>>, %arg20: memref<128x128xf32, #tpu.memory_space<vmem>>) attributes {dimension_semantics = [#tpu.dimension_semantics<arbitrary>], iteration_bounds = array<i64: 24>, scalar_prefetch = 0 : i64, scratch_operands = 0 : i64, tpu.core_type = #tpu.core_type<tc>, window_params = [{transform_indices = @transform_0, window_bounds = array<i64: 128, 128>}, {transform_indices = @transform_1, window_bounds = array<i64: 4096, 128>}, {transform_indices = @transform_2, window_bounds = array<i64: 4096, 128>}, {transform_indices = @transform_3, window_bounds = array<i64: 128, 32>}, {transform_indices = @transform_4, window_bounds = array<i64: 128, 1>}, {transform_indices = @transform_5, window_bounds = array<i64: 128, 32>}, {pipeline_mode = #tpu.pipeline_mode<synchronous>, transform_indices = @transform_6, window_bounds = array<i64: 1, 128>}, {pipeline_mode = #tpu.pipeline_mode<synchronous>, transform_indices = @transform_7, window_bounds = array<i64: 1, 128>}, {pipeline_mode = #tpu.pipeline_mode<synchronous>, transform_indices = @transform_8, window_bounds = array<i64: 128, 128>}, {pipeline_mode = #tpu.pipeline_mode<synchronous>, transform_indices = @transform_9, window_bounds = array<i64: 128, 128>}, {pipeline_mode = #tpu.pipeline_mode<synchronous>, transform_indices = @transform_10, window_bounds = array<i64: 128, 128>}, {pipeline_mode = #tpu.pipeline_mode<synchronous>, transform_indices = @transform_11, window_bounds = array<i64: 128, 128>}, {pipeline_mode = #tpu.pipeline_mode<synchronous>, transform_indices = @transform_12, window_bounds = array<i64: 128, 128>}, {pipeline_mode = #tpu.pipeline_mode<synchronous>, transform_indices = @transform_13, window_bounds = array<i64: 128, 128>}, {pipeline_mode = #tpu.pipeline_mode<synchronous>, transform_indices = @transform_14, window_bounds = array<i64: 128, 128>}, {pipeline_mode = #tpu.pipeline_mode<synchronous>, transform_indices = @transform_15, window_bounds = array<i64: 128, 128>}, {pipeline_mode = #tpu.pipeline_mode<synchronous>, transform_indices = @transform_16, window_bounds = array<i64: 128, 128>}, {pipeline_mode = #tpu.pipeline_mode<synchronous>, transform_indices = @transform_17, window_bounds = array<i64: 128, 128>}, {pipeline_mode = #tpu.pipeline_mode<synchronous>, transform_indices = @transform_18, window_bounds = array<i64: 128, 128>}, {transform_indices = @transform_19, window_bounds = array<i64: 128, 128>}]} {
    %get3A = arith.constant 0 : index
    %get3A_0 = arith.constant 0 : index
    %get3A_1 = vector.load %arg1[%get3A, %get3A_0] : memref<128x128xf32, #tpu.memory_space<vmem>>, vector<128x128xf32>
    %get3A_2 = arith.constant 0 : index
    %get3A_3 = arith.constant 0 : index
    %get3A_4 = vector.load %arg7[%get3A_2, %get3A_3] : memref<1x128xf32, #tpu.memory_space<vmem>>, vector<1x128xf32>
    %get3A_5 = arith.constant 0 : index
    %get3A_6 = arith.constant 0 : index
    %get3A_7 = vector.load %arg8[%get3A_5, %get3A_6] : memref<1x128xf32, #tpu.memory_space<vmem>>, vector<1x128xf32>
    %get3A_8 = arith.constant 0 : index
    %get3A_9 = arith.constant 0 : index
    %get3A_10 = vector.load %arg5[%get3A_8, %get3A_9] : memref<128x1xf32, #tpu.memory_space<vmem>>, vector<128x1xf32>
    %get3A_11 = arith.constant 0 : index
    %get3A_12 = arith.constant 0 : index
    %get3A_13 = vector.load %arg6[%get3A_11, %get3A_12] : memref<128x32xf32, #tpu.memory_space<vmem>>, vector<128x32xf32>
    %sub3A = vector.broadcast %get3A_10 : vector<128x1xf32> to vector<128x32xf32>
    %sub3A_14 = arith.subf %sub3A, %get3A_13 : vector<128x32xf32>
    %broadcast_in_dim3A = vector.shape_cast %sub3A_14 : vector<128x32xf32> to vector<128x32x1xf32>
    %broadcast_in_dim3A_15 = vector.shape_cast %get3A_4 : vector<1x128xf32> to vector<1x1x128xf32>
    %mul3A = vector.broadcast %broadcast_in_dim3A : vector<128x32x1xf32> to vector<128x32x128xf32>
    %mul3A_16 = vector.broadcast %broadcast_in_dim3A_15 : vector<1x1x128xf32> to vector<128x32x128xf32>
    %mul3A_17 = arith.mulf %mul3A, %mul3A_16 : vector<128x32x128xf32>
    %broadcast_in_dim3A_18 = vector.shape_cast %get3A_7 : vector<1x128xf32> to vector<1x1x128xf32>
    %add3A = vector.broadcast %broadcast_in_dim3A_18 : vector<1x1x128xf32> to vector<128x32x128xf32>
    %add3A_19 = arith.addf %mul3A_17, %add3A : vector<128x32x128xf32>
    %mul3A_20 = arith.constant 0.159154937 : f32
    %mul3A_21 = vector.broadcast %mul3A_20 : f32 to vector<128x32x128xf32>
    %mul3A_22 = arith.mulf %add3A_19, %mul3A_21 : vector<128x32x128xf32>
    %round3A = math.roundeven %mul3A_22 : vector<128x32x128xf32>
    %mul3A_23 = arith.constant 6.281250e+00 : f32
    %mul3A_24 = vector.broadcast %mul3A_23 : f32 to vector<128x32x128xf32>
    %mul3A_25 = arith.mulf %round3A, %mul3A_24 : vector<128x32x128xf32>
    %sub3A_26 = arith.subf %add3A_19, %mul3A_25 : vector<128x32x128xf32>
    %mul3A_27 = arith.constant 0.00193530717 : f32
    %mul3A_28 = vector.broadcast %mul3A_27 : f32 to vector<128x32x128xf32>
    %mul3A_29 = arith.mulf %round3A, %mul3A_28 : vector<128x32x128xf32>
    %sub3A_30 = arith.subf %sub3A_26, %mul3A_29 : vector<128x32x128xf32>
    %mul3A_31 = arith.mulf %sub3A_30, %sub3A_30 : vector<128x32x128xf32>
    %mul3A_32 = arith.constant -1.14707454E-11 : f32
    %mul3A_33 = vector.broadcast %mul3A_32 : f32 to vector<128x32x128xf32>
    %mul3A_34 = arith.mulf %mul3A_33, %mul3A_31 : vector<128x32x128xf32>
    %add3A_35 = arith.constant 2.08767559E-9 : f32
    %add3A_36 = vector.broadcast %add3A_35 : f32 to vector<128x32x128xf32>
    %add3A_37 = arith.addf %mul3A_34, %add3A_36 : vector<128x32x128xf32>
    %mul3A_38 = arith.mulf %add3A_37, %mul3A_31 : vector<128x32x128xf32>
    %add3A_39 = arith.constant -2.755732E-7 : f32
    %add3A_40 = vector.broadcast %add3A_39 : f32 to vector<128x32x128xf32>
    %add3A_41 = arith.addf %mul3A_38, %add3A_40 : vector<128x32x128xf32>
    %mul3A_42 = arith.mulf %add3A_41, %mul3A_31 : vector<128x32x128xf32>
    %add3A_43 = arith.constant 2.48015876E-5 : f32
    %add3A_44 = vector.broadcast %add3A_43 : f32 to vector<128x32x128xf32>
    %add3A_45 = arith.addf %mul3A_42, %add3A_44 : vector<128x32x128xf32>
    %mul3A_46 = arith.mulf %add3A_45, %mul3A_31 : vector<128x32x128xf32>
    %add3A_47 = arith.constant -0.00138888892 : f32
    %add3A_48 = vector.broadcast %add3A_47 : f32 to vector<128x32x128xf32>
    %add3A_49 = arith.addf %mul3A_46, %add3A_48 : vector<128x32x128xf32>
    %mul3A_50 = arith.mulf %add3A_49, %mul3A_31 : vector<128x32x128xf32>
    %add3A_51 = arith.constant 0.0416666679 : f32
    %add3A_52 = vector.broadcast %add3A_51 : f32 to vector<128x32x128xf32>
    %add3A_53 = arith.addf %mul3A_50, %add3A_52 : vector<128x32x128xf32>
    %mul3A_54 = arith.mulf %add3A_53, %mul3A_31 : vector<128x32x128xf32>
    %add3A_55 = arith.constant -5.000000e-01 : f32
    %add3A_56 = vector.broadcast %add3A_55 : f32 to vector<128x32x128xf32>
    %add3A_57 = arith.addf %mul3A_54, %add3A_56 : vector<128x32x128xf32>
    %mul3A_58 = arith.mulf %add3A_57, %mul3A_31 : vector<128x32x128xf32>
    %add3A_59 = arith.constant 1.000000e+00 : f32
    %add3A_60 = vector.broadcast %add3A_59 : f32 to vector<128x32x128xf32>
    %add3A_61 = arith.addf %mul3A_58, %add3A_60 : vector<128x32x128xf32>
    %reshape3A = vector.shape_cast %add3A_61 : vector<128x32x128xf32> to vector<4096x128xf32>
    %get3A_62 = arith.constant 0 : index
    %get3A_63 = arith.constant 0 : index
    %get3A_64 = vector.load %arg4[%get3A_62, %get3A_63] : memref<128x32xi32, #tpu.memory_space<vmem>>, vector<128x32xi32>
    %jit3A = arith.constant 131072 : i32
    %div3A = vector.broadcast %jit3A : i32 to vector<128x32xi32>
    %div3A_65 = arith.divsi %get3A_64, %div3A : vector<128x32xi32>
    %sign3A = arith.constant 0 : i32
    %sign3A_66 = vector.broadcast %sign3A : i32 to vector<128x32xi32>
    %sign3A_67 = arith.cmpi sgt, %get3A_64, %sign3A_66 : vector<128x32xi32>
    %sign3A_68 = arith.extui %sign3A_67 : vector<128x32xi1> to vector<128x32xi32>
    %sign3A_69 = arith.constant 0 : i32
    %sign3A_70 = vector.broadcast %sign3A_69 : i32 to vector<128x32xi32>
    %sign3A_71 = arith.cmpi slt, %get3A_64, %sign3A_70 : vector<128x32xi32>
    %sign3A_72 = arith.extui %sign3A_71 : vector<128x32xi1> to vector<128x32xi32>
    %sign3A_73 = arith.subi %sign3A_68, %sign3A_72 : vector<128x32xi32>
    %sign3A_74 = arith.constant 0 : i32
    %sign3A_75 = arith.cmpi sgt, %jit3A, %sign3A_74 : i32
    %sign3A_76 = arith.extui %sign3A_75 : i1 to i32
    %sign3A_77 = arith.constant 0 : i32
    %sign3A_78 = arith.cmpi slt, %jit3A, %sign3A_77 : i32
    %sign3A_79 = arith.extui %sign3A_78 : i1 to i32
    %sign3A_80 = arith.subi %sign3A_76, %sign3A_79 : i32
    %ne3A = vector.broadcast %sign3A_80 : i32 to vector<128x32xi32>
    %ne3A_81 = arith.cmpi ne, %sign3A_73, %ne3A : vector<128x32xi32>
    %rem3A = vector.broadcast %jit3A : i32 to vector<128x32xi32>
    %rem3A_82 = arith.remsi %get3A_64, %rem3A : vector<128x32xi32>
    %ne3A_83 = arith.constant 0 : i32
    %ne3A_84 = vector.broadcast %ne3A_83 : i32 to vector<128x32xi32>
    %ne3A_85 = arith.cmpi ne, %rem3A_82, %ne3A_84 : vector<128x32xi32>
    %and3A = arith.andi %ne3A_81, %ne3A_85 : vector<128x32xi1>
    %sub3A_86 = arith.constant 1 : i32
    %sub3A_87 = vector.broadcast %sub3A_86 : i32 to vector<128x32xi32>
    %sub3A_88 = arith.subi %div3A_65, %sub3A_87 : vector<128x32xi32>
    %select_n3A = arith.select %and3A, %sub3A_88, %div3A_65 : vector<128x32xi1>, vector<128x32xi32>
    %iota3A = tpu.iota {dimensions = array<i32: 2>} : vector<1x1x128xi32>
    %shift_right_arithmetic3A = arith.constant 4 : i32
    %shift_right_arithmetic3A_89 = vector.broadcast %shift_right_arithmetic3A : i32 to vector<1x1x128xi32>
    %shift_right_arithmetic3A_90 = arith.shrsi %iota3A, %shift_right_arithmetic3A_89 : vector<1x1x128xi32>
    %get3A_91 = arith.constant 0 : index
    %get3A_92 = arith.constant 0 : index
    %get3A_93 = vector.load %arg3[%get3A_91, %get3A_92] : memref<4096x128xf32, #tpu.memory_space<vmem>>, vector<4096x128xf32>
    %reshape3A_94 = vector.shape_cast %get3A_93 : vector<4096x128xf32> to vector<128x32x128xf32>
    %broadcast_in_dim3A_95 = vector.shape_cast %select_n3A : vector<128x32xi32> to vector<128x32x1xi32>
    %eq3A = vector.broadcast %shift_right_arithmetic3A_90 : vector<1x1x128xi32> to vector<128x32x128xi32>
    %eq3A_96 = vector.broadcast %broadcast_in_dim3A_95 : vector<128x32x1xi32> to vector<128x32x128xi32>
    %eq3A_97 = arith.cmpi eq, %eq3A, %eq3A_96 : vector<128x32x128xi32>
    %jit3A_98 = arith.constant 0.000000e+00 : f32
    %broadcast_in_dim3A_99 = vector.broadcast %jit3A_98 : f32 to vector<128x32x128xf32>
    %select_n3A_100 = arith.select %eq3A_97, %reshape3A_94, %broadcast_in_dim3A_99 : vector<128x32x128xi1>, vector<128x32x128xf32>
    %reshape3A_101 = vector.shape_cast %select_n3A_100 : vector<128x32x128xf32> to vector<4096x128xf32>
    %get3A_102 = arith.constant 0 : index
    %get3A_103 = arith.constant 0 : index
    %get3A_104 = vector.load %arg2[%get3A_102, %get3A_103] : memref<4096x128xf32, #tpu.memory_space<vmem>>, vector<4096x128xf32>
    %get3A_105 = arith.constant 0 : index
    %get3A_106 = arith.constant 0 : index
    %get3A_107 = vector.load %arg11[%get3A_105, %get3A_106] : memref<128x128xf32, #tpu.memory_space<vmem>>, vector<128x128xf32>
    %dot_general3A = arith.constant dense<0.000000e+00> : vector<4096x128xf32>
    %dot_general3A_108 = tpu.matmul %get3A_104, %get3A_107, %dot_general3A {dimension_numbers = #tpu.dot_dimension_numbers<[1], [0], [0], [1], [0, 0, 1, 1], [], []>, transpose_lhs_hint = false} : vector<4096x128xf32>, vector<128x128xf32>, vector<4096x128xf32> -> vector<4096x128xf32>
    %get3A_109 = arith.constant 0 : index
    %get3A_110 = arith.constant 0 : index
    %get3A_111 = vector.load %arg12[%get3A_109, %get3A_110] : memref<128x128xf32, #tpu.memory_space<vmem>>, vector<128x128xf32>
    %dot_general3A_112 = arith.constant dense<0.000000e+00> : vector<4096x128xf32>
    %dot_general3A_113 = tpu.matmul %reshape3A_101, %get3A_111, %dot_general3A_112 {dimension_numbers = #tpu.dot_dimension_numbers<[1], [0], [0], [1], [0, 0, 1, 1], [], []>, transpose_lhs_hint = false} : vector<4096x128xf32>, vector<128x128xf32>, vector<4096x128xf32> -> vector<4096x128xf32>
    %add3A_114 = arith.addf %dot_general3A_108, %dot_general3A_113 : vector<4096x128xf32>
    %get3A_115 = arith.constant 0 : index
    %get3A_116 = arith.constant 0 : index
    %get3A_117 = vector.load %arg13[%get3A_115, %get3A_116] : memref<128x128xf32, #tpu.memory_space<vmem>>, vector<128x128xf32>
    %dot_general3A_118 = arith.constant dense<0.000000e+00> : vector<4096x128xf32>
    %dot_general3A_119 = tpu.matmul %reshape3A, %get3A_117, %dot_general3A_118 {dimension_numbers = #tpu.dot_dimension_numbers<[1], [0], [0], [1], [0, 0, 1, 1], [], []>, transpose_lhs_hint = false} : vector<4096x128xf32>, vector<128x128xf32>, vector<4096x128xf32> -> vector<4096x128xf32>
    %add3A_120 = arith.addf %add3A_114, %dot_general3A_119 : vector<4096x128xf32>
    %get3A_121 = arith.constant 0 : index
    %get3A_122 = arith.constant 0 : index
    %get3A_123 = vector.load %arg14[%get3A_121, %get3A_122] : memref<128x128xf32, #tpu.memory_space<vmem>>, vector<128x128xf32>
    %dot_general3A_124 = arith.constant dense<0.000000e+00> : vector<4096x128xf32>
    %dot_general3A_125 = tpu.matmul %get3A_104, %get3A_123, %dot_general3A_124 {dimension_numbers = #tpu.dot_dimension_numbers<[1], [0], [0], [1], [0, 0, 1, 1], [], []>, transpose_lhs_hint = false} : vector<4096x128xf32>, vector<128x128xf32>, vector<4096x128xf32> -> vector<4096x128xf32>
    %get3A_126 = arith.constant 0 : index
    %get3A_127 = arith.constant 0 : index
    %get3A_128 = vector.load %arg15[%get3A_126, %get3A_127] : memref<128x128xf32, #tpu.memory_space<vmem>>, vector<128x128xf32>
    %dot_general3A_129 = arith.constant dense<0.000000e+00> : vector<4096x128xf32>
    %dot_general3A_130 = tpu.matmul %reshape3A_101, %get3A_128, %dot_general3A_129 {dimension_numbers = #tpu.dot_dimension_numbers<[1], [0], [0], [1], [0, 0, 1, 1], [], []>, transpose_lhs_hint = false} : vector<4096x128xf32>, vector<128x128xf32>, vector<4096x128xf32> -> vector<4096x128xf32>
    %add3A_131 = arith.addf %dot_general3A_125, %dot_general3A_130 : vector<4096x128xf32>
    %get3A_132 = arith.constant 0 : index
    %get3A_133 = arith.constant 0 : index
    %get3A_134 = vector.load %arg16[%get3A_132, %get3A_133] : memref<128x128xf32, #tpu.memory_space<vmem>>, vector<128x128xf32>
    %dot_general3A_135 = arith.constant dense<0.000000e+00> : vector<4096x128xf32>
    %dot_general3A_136 = tpu.matmul %reshape3A, %get3A_134, %dot_general3A_135 {dimension_numbers = #tpu.dot_dimension_numbers<[1], [0], [0], [1], [0, 0, 1, 1], [], []>, transpose_lhs_hint = false} : vector<4096x128xf32>, vector<128x128xf32>, vector<4096x128xf32> -> vector<4096x128xf32>
    %add3A_137 = arith.addf %add3A_131, %dot_general3A_136 : vector<4096x128xf32>
    %mul3A_138 = arith.constant 0.159154937 : f32
    %mul3A_139 = vector.broadcast %mul3A_138 : f32 to vector<1x128xf32>
    %mul3A_140 = arith.mulf %get3A_7, %mul3A_139 : vector<1x128xf32>
    %round3A_141 = math.roundeven %mul3A_140 : vector<1x128xf32>
    %mul3A_142 = arith.constant 6.281250e+00 : f32
    %mul3A_143 = vector.broadcast %mul3A_142 : f32 to vector<1x128xf32>
    %mul3A_144 = arith.mulf %round3A_141, %mul3A_143 : vector<1x128xf32>
    %sub3A_145 = arith.subf %get3A_7, %mul3A_144 : vector<1x128xf32>
    %mul3A_146 = arith.constant 0.00193530717 : f32
    %mul3A_147 = vector.broadcast %mul3A_146 : f32 to vector<1x128xf32>
    %mul3A_148 = arith.mulf %round3A_141, %mul3A_147 : vector<1x128xf32>
    %sub3A_149 = arith.subf %sub3A_145, %mul3A_148 : vector<1x128xf32>
    %mul3A_150 = arith.mulf %sub3A_149, %sub3A_149 : vector<1x128xf32>
    %mul3A_151 = arith.constant -1.14707454E-11 : f32
    %mul3A_152 = vector.broadcast %mul3A_151 : f32 to vector<1x128xf32>
    %mul3A_153 = arith.mulf %mul3A_152, %mul3A_150 : vector<1x128xf32>
    %add3A_154 = arith.constant 2.08767559E-9 : f32
    %add3A_155 = vector.broadcast %add3A_154 : f32 to vector<1x128xf32>
    %add3A_156 = arith.addf %mul3A_153, %add3A_155 : vector<1x128xf32>
    %mul3A_157 = arith.mulf %add3A_156, %mul3A_150 : vector<1x128xf32>
    %add3A_158 = arith.constant -2.755732E-7 : f32
    %add3A_159 = vector.broadcast %add3A_158 : f32 to vector<1x128xf32>
    %add3A_160 = arith.addf %mul3A_157, %add3A_159 : vector<1x128xf32>
    %mul3A_161 = arith.mulf %add3A_160, %mul3A_150 : vector<1x128xf32>
    %add3A_162 = arith.constant 2.48015876E-5 : f32
    %add3A_163 = vector.broadcast %add3A_162 : f32 to vector<1x128xf32>
    %add3A_164 = arith.addf %mul3A_161, %add3A_163 : vector<1x128xf32>
    %mul3A_165 = arith.mulf %add3A_164, %mul3A_150 : vector<1x128xf32>
    %add3A_166 = arith.constant -0.00138888892 : f32
    %add3A_167 = vector.broadcast %add3A_166 : f32 to vector<1x128xf32>
    %add3A_168 = arith.addf %mul3A_165, %add3A_167 : vector<1x128xf32>
    %mul3A_169 = arith.mulf %add3A_168, %mul3A_150 : vector<1x128xf32>
    %add3A_170 = arith.constant 0.0416666679 : f32
    %add3A_171 = vector.broadcast %add3A_170 : f32 to vector<1x128xf32>
    %add3A_172 = arith.addf %mul3A_169, %add3A_171 : vector<1x128xf32>
    %mul3A_173 = arith.mulf %add3A_172, %mul3A_150 : vector<1x128xf32>
    %add3A_174 = arith.constant -5.000000e-01 : f32
    %add3A_175 = vector.broadcast %add3A_174 : f32 to vector<1x128xf32>
    %add3A_176 = arith.addf %mul3A_173, %add3A_175 : vector<1x128xf32>
    %mul3A_177 = arith.mulf %add3A_176, %mul3A_150 : vector<1x128xf32>
    %add3A_178 = arith.constant 1.000000e+00 : f32
    %add3A_179 = vector.broadcast %add3A_178 : f32 to vector<1x128xf32>
    %add3A_180 = arith.addf %mul3A_177, %add3A_179 : vector<1x128xf32>
    %get3A_181 = arith.constant 0 : index
    %get3A_182 = arith.constant 0 : index
    %get3A_183 = vector.load %arg9[%get3A_181, %get3A_182] : memref<128x128xf32, #tpu.memory_space<vmem>>, vector<128x128xf32>
    %dot_general3A_184 = arith.constant dense<0.000000e+00> : vector<128x128xf32>
    %dot_general3A_185 = tpu.matmul %get3A_1, %get3A_183, %dot_general3A_184 {dimension_numbers = #tpu.dot_dimension_numbers<[1], [0], [0], [1], [0, 0, 1, 1], [], []>, transpose_lhs_hint = false} : vector<128x128xf32>, vector<128x128xf32>, vector<128x128xf32> -> vector<128x128xf32>
    %get3A_186 = arith.constant 0 : index
    %get3A_187 = arith.constant 0 : index
    %get3A_188 = vector.load %arg10[%get3A_186, %get3A_187] : memref<128x128xf32, #tpu.memory_space<vmem>>, vector<128x128xf32>
    %dot_general3A_189 = arith.constant dense<0.000000e+00> : vector<1x128xf32>
    %dot_general3A_190 = tpu.matmul %add3A_180, %get3A_188, %dot_general3A_189 {dimension_numbers = #tpu.dot_dimension_numbers<[1], [0], [0], [1], [0, 0, 1, 1], [], []>, transpose_lhs_hint = false} : vector<1x128xf32>, vector<128x128xf32>, vector<1x128xf32> -> vector<1x128xf32>
    %add3A_191 = vector.broadcast %dot_general3A_190 : vector<1x128xf32> to vector<128x128xf32>
    %add3A_192 = arith.addf %dot_general3A_185, %add3A_191 : vector<128x128xf32>
    %reshape3A_193 = vector.shape_cast %add3A_120 : vector<4096x128xf32> to vector<128x32x128xf32>
    %broadcast_in_dim3A_194 = vector.shape_cast %add3A_192 : vector<128x128xf32> to vector<128x1x128xf32>
    %mul3A_195 = vector.broadcast %broadcast_in_dim3A_194 : vector<128x1x128xf32> to vector<128x32x128xf32>
    %mul3A_196 = arith.mulf %reshape3A_193, %mul3A_195 : vector<128x32x128xf32>
    %slice3A = vector.extract_strided_slice %mul3A_196 {offsets = [0, 0, 0], sizes = [128, 32, 64], strides = [1, 1, 1]} : vector<128x32x128xf32> to vector<128x32x64xf32>
    %reduce_sum3A = arith.constant dense<0.000000e+00> : vector<128x32xf32>
    %reduce_sum3A_197 = vector.multi_reduction <add>, %slice3A, %reduce_sum3A [2] : vector<128x32x64xf32> to vector<128x32xf32>
    %mul3A_198 = arith.constant 1.250000e-01 : f32
    %mul3A_199 = vector.broadcast %mul3A_198 : f32 to vector<128x32xf32>
    %mul3A_200 = arith.mulf %reduce_sum3A_197, %mul3A_199 : vector<128x32xf32>
    %slice3A_201 = vector.extract_strided_slice %mul3A_196 {offsets = [0, 0, 64], sizes = [128, 32, 64], strides = [1, 1, 1]} : vector<128x32x128xf32> to vector<128x32x64xf32>
    %reduce_sum3A_202 = arith.constant dense<0.000000e+00> : vector<128x32xf32>
    %reduce_sum3A_203 = vector.multi_reduction <add>, %slice3A_201, %reduce_sum3A_202 [2] : vector<128x32x64xf32> to vector<128x32xf32>
    %mul3A_204 = arith.constant 1.250000e-01 : f32
    %mul3A_205 = vector.broadcast %mul3A_204 : f32 to vector<128x32xf32>
    %mul3A_206 = arith.mulf %reduce_sum3A_203, %mul3A_205 : vector<128x32xf32>
    %reduce_max3A = arith.constant dense<0xFF800000> : vector<128xf32>
    %reduce_max3A_207 = vector.multi_reduction <maximumf>, %mul3A_200, %reduce_max3A [1] : vector<128x32xf32> to vector<128xf32>
    %broadcast_in_dim3A_208 = vector.shape_cast %reduce_max3A_207 : vector<128xf32> to vector<128x1xf32>
    %sub3A_209 = vector.broadcast %broadcast_in_dim3A_208 : vector<128x1xf32> to vector<128x32xf32>
    %sub3A_210 = arith.subf %mul3A_200, %sub3A_209 : vector<128x32xf32>
    %exp3A = math.exp %sub3A_210 : vector<128x32xf32>
    %reduce_sum3A_211 = arith.constant dense<0.000000e+00> : vector<128xf32>
    %reduce_sum3A_212 = vector.multi_reduction <add>, %exp3A, %reduce_sum3A_211 [1] : vector<128x32xf32> to vector<128xf32>
    %broadcast_in_dim3A_213 = vector.shape_cast %reduce_sum3A_212 : vector<128xf32> to vector<128x1xf32>
    %div3A_214 = vector.broadcast %broadcast_in_dim3A_213 : vector<128x1xf32> to vector<128x32xf32>
    %div3A_215 = arith.divf %exp3A, %div3A_214 : vector<128x32xf32>
    %reduce_max3A_216 = arith.constant dense<0xFF800000> : vector<128xf32>
    %reduce_max3A_217 = vector.multi_reduction <maximumf>, %mul3A_206, %reduce_max3A_216 [1] : vector<128x32xf32> to vector<128xf32>
    %broadcast_in_dim3A_218 = vector.shape_cast %reduce_max3A_217 : vector<128xf32> to vector<128x1xf32>
    %sub3A_219 = vector.broadcast %broadcast_in_dim3A_218 : vector<128x1xf32> to vector<128x32xf32>
    %sub3A_220 = arith.subf %mul3A_206, %sub3A_219 : vector<128x32xf32>
    %exp3A_221 = math.exp %sub3A_220 : vector<128x32xf32>
    %reduce_sum3A_222 = arith.constant dense<0.000000e+00> : vector<128xf32>
    %reduce_sum3A_223 = vector.multi_reduction <add>, %exp3A_221, %reduce_sum3A_222 [1] : vector<128x32xf32> to vector<128xf32>
    %broadcast_in_dim3A_224 = vector.shape_cast %reduce_sum3A_223 : vector<128xf32> to vector<128x1xf32>
    %div3A_225 = vector.broadcast %broadcast_in_dim3A_224 : vector<128x1xf32> to vector<128x32xf32>
    %div3A_226 = arith.divf %exp3A_221, %div3A_225 : vector<128x32xf32>
    %reshape3A_227 = vector.shape_cast %add3A_137 : vector<4096x128xf32> to vector<128x32x128xf32>
    %broadcast_in_dim3A_228 = vector.shape_cast %div3A_215 : vector<128x32xf32> to vector<128x32x1xf32>
    %slice3A_229 = vector.extract_strided_slice %reshape3A_227 {offsets = [0, 0, 0], sizes = [128, 32, 64], strides = [1, 1, 1]} : vector<128x32x128xf32> to vector<128x32x64xf32>
    %mul3A_230 = vector.broadcast %broadcast_in_dim3A_228 : vector<128x32x1xf32> to vector<128x32x64xf32>
    %mul3A_231 = arith.mulf %mul3A_230, %slice3A_229 : vector<128x32x64xf32>
    %reduce_sum3A_232 = arith.constant dense<0.000000e+00> : vector<128x64xf32>
    %reduce_sum3A_233 = vector.multi_reduction <add>, %mul3A_231, %reduce_sum3A_232 [1] : vector<128x32x64xf32> to vector<128x64xf32>
    %broadcast_in_dim3A_234 = vector.shape_cast %div3A_226 : vector<128x32xf32> to vector<128x32x1xf32>
    %slice3A_235 = vector.extract_strided_slice %reshape3A_227 {offsets = [0, 0, 64], sizes = [128, 32, 64], strides = [1, 1, 1]} : vector<128x32x128xf32> to vector<128x32x64xf32>
    %mul3A_236 = vector.broadcast %broadcast_in_dim3A_234 : vector<128x32x1xf32> to vector<128x32x64xf32>
    %mul3A_237 = arith.mulf %mul3A_236, %slice3A_235 : vector<128x32x64xf32>
    %reduce_sum3A_238 = arith.constant dense<0.000000e+00> : vector<128x64xf32>
    %reduce_sum3A_239 = vector.multi_reduction <add>, %mul3A_237, %reduce_sum3A_238 [1] : vector<128x32x64xf32> to vector<128x64xf32>
    %concatenate3A = tpu.concatenate %reduce_sum3A_233, %reduce_sum3A_239 in 1 : vector<128x64xf32>, vector<128x64xf32> -> vector<128x128xf32>
    %get3A_240 = arith.constant 0 : index
    %get3A_241 = arith.constant 0 : index
    %get3A_242 = vector.load %arg17[%get3A_240, %get3A_241] : memref<128x128xf32, #tpu.memory_space<vmem>>, vector<128x128xf32>
    %dot_general3A_243 = arith.constant dense<0.000000e+00> : vector<128x128xf32>
    %dot_general3A_244 = tpu.matmul %concatenate3A, %get3A_242, %dot_general3A_243 {dimension_numbers = #tpu.dot_dimension_numbers<[1], [0], [0], [1], [0, 0, 1, 1], [], []>, transpose_lhs_hint = false} : vector<128x128xf32>, vector<128x128xf32>, vector<128x128xf32> -> vector<128x128xf32>
    %get3A_245 = arith.constant 0 : index
    %get3A_246 = arith.constant 0 : index
    %get3A_247 = vector.load %arg18[%get3A_245, %get3A_246] : memref<128x128xf32, #tpu.memory_space<vmem>>, vector<128x128xf32>
    %dot_general3A_248 = arith.constant dense<0.000000e+00> : vector<128x128xf32>
    %dot_general3A_249 = tpu.matmul %get3A_1, %get3A_247, %dot_general3A_248 {dimension_numbers = #tpu.dot_dimension_numbers<[1], [0], [0], [1], [0, 0, 1, 1], [], []>, transpose_lhs_hint = false} : vector<128x128xf32>, vector<128x128xf32>, vector<128x128xf32> -> vector<128x128xf32>
    %add3A_250 = arith.addf %dot_general3A_244, %dot_general3A_249 : vector<128x128xf32>
    %max3A = arith.constant 0.000000e+00 : f32
    %max3A_251 = vector.broadcast %max3A : f32 to vector<128x128xf32>
    %max3A_252 = arith.maximumf %add3A_250, %max3A_251 : vector<128x128xf32>
    %get3A_253 = arith.constant 0 : index
    %get3A_254 = arith.constant 0 : index
    %get3A_255 = vector.load %arg19[%get3A_253, %get3A_254] : memref<128x128xf32, #tpu.memory_space<vmem>>, vector<128x128xf32>
    %dot_general3A_256 = arith.constant dense<0.000000e+00> : vector<128x128xf32>
    %dot_general3A_257 = tpu.matmul %max3A_252, %get3A_255, %dot_general3A_256 {dimension_numbers = #tpu.dot_dimension_numbers<[1], [0], [0], [1], [0, 0, 1, 1], [], []>, transpose_lhs_hint = false} : vector<128x128xf32>, vector<128x128xf32>, vector<128x128xf32> -> vector<128x128xf32>
    %swap3A = arith.constant 0 : index
    %swap3A_258 = arith.constant 0 : index
    %swap3A_259 = vector.load %arg20[%swap3A, %swap3A_258] : memref<128x128xf32, #tpu.memory_space<vmem>>, vector<128x128xf32>
    tpu.vector_store %arg20[%swap3A, %swap3A_258], %dot_general3A_257 {strides = array<i32>} : memref<128x128xf32, #tpu.memory_space<vmem>>, vector<128x128xf32>,
    return
  }
  func.func @transform_0(%arg0: i32) -> (i32, i32) {
    %c0_i32 = arith.constant 0 : i32
    %c0_i32_0 = arith.constant 0 : i32
    return %arg0, %c0_i32 : i32, i32
  }
  func.func @transform_1(%arg0: i32) -> (i32, i32) {
    %c0_i32 = arith.constant 0 : i32
    %c0_i32_0 = arith.constant 0 : i32
    return %arg0, %c0_i32 : i32, i32
  }
  func.func @transform_2(%arg0: i32) -> (i32, i32) {
    %c0_i32 = arith.constant 0 : i32
    %c0_i32_0 = arith.constant 0 : i32
    return %arg0, %c0_i32 : i32, i32
  }
  func.func @transform_3(%arg0: i32) -> (i32, i32) {
    %c0_i32 = arith.constant 0 : i32
    %c0_i32_0 = arith.constant 0 : i32
    return %arg0, %c0_i32 : i32, i32
  }
  func.func @transform_4(%arg0: i32) -> (i32, i32) {
    %c0_i32 = arith.constant 0 : i32
    %c0_i32_0 = arith.constant 0 : i32
    return %arg0, %c0_i32 : i32, i32
  }
  func.func @transform_5(%arg0: i32) -> (i32, i32) {
    %c0_i32 = arith.constant 0 : i32
    %c0_i32_0 = arith.constant 0 : i32
    return %arg0, %c0_i32 : i32, i32
  }
  func.func @transform_6(%arg0: i32) -> (i32, i32) {
    %c0_i32 = arith.constant 0 : i32
    %c0_i32_0 = arith.constant 0 : i32
    %c0_i32_1 = arith.constant 0 : i32
    return %c0_i32, %c0_i32_0 : i32, i32
  }
  func.func @transform_7(%arg0: i32) -> (i32, i32) {
    %c0_i32 = arith.constant 0 : i32
    %c0_i32_0 = arith.constant 0 : i32
    %c0_i32_1 = arith.constant 0 : i32
    return %c0_i32, %c0_i32_0 : i32, i32
  }
  func.func @transform_8(%arg0: i32) -> (i32, i32) {
    %c0_i32 = arith.constant 0 : i32
    %c0_i32_0 = arith.constant 0 : i32
    %c0_i32_1 = arith.constant 0 : i32
    return %c0_i32, %c0_i32_0 : i32, i32
  }
  func.func @transform_9(%arg0: i32) -> (i32, i32) {
    %c0_i32 = arith.constant 0 : i32
    %c0_i32_0 = arith.constant 0 : i32
    %c0_i32_1 = arith.constant 0 : i32
    return %c0_i32, %c0_i32_0 : i32, i32
  }
  func.func @transform_10(%arg0: i32) -> (i32, i32) {
    %c0_i32 = arith.constant 0 : i32
    %c0_i32_0 = arith.constant 0 : i32
    %c0_i32_1 = arith.constant 0 : i32
    return %c0_i32, %c0_i32_0 : i32, i32
  }
  func.func @transform_11(%arg0: i32) -> (i32, i32) {
    %c0_i32 = arith.constant 0 : i32
    %c0_i32_0 = arith.constant 0 : i32
    %c0_i32_1 = arith.constant 0 : i32
    return %c0_i32, %c0_i32_0 : i32, i32
  }
  func.func @transform_12(%arg0: i32) -> (i32, i32) {
    %c0_i32 = arith.constant 0 : i32
    %c0_i32_0 = arith.constant 0 : i32
    %c0_i32_1 = arith.constant 0 : i32
    return %c0_i32, %c0_i32_0 : i32, i32
  }
  func.func @transform_13(%arg0: i32) -> (i32, i32) {
    %c0_i32 = arith.constant 0 : i32
    %c0_i32_0 = arith.constant 0 : i32
    %c0_i32_1 = arith.constant 0 : i32
    return %c0_i32, %c0_i32_0 : i32, i32
  }
  func.func @transform_14(%arg0: i32) -> (i32, i32) {
    %c0_i32 = arith.constant 0 : i32
    %c0_i32_0 = arith.constant 0 : i32
    %c0_i32_1 = arith.constant 0 : i32
    return %c0_i32, %c0_i32_0 : i32, i32
  }
  func.func @transform_15(%arg0: i32) -> (i32, i32) {
    %c0_i32 = arith.constant 0 : i32
    %c0_i32_0 = arith.constant 0 : i32
    %c0_i32_1 = arith.constant 0 : i32
    return %c0_i32, %c0_i32_0 : i32, i32
  }
  func.func @transform_16(%arg0: i32) -> (i32, i32) {
    %c0_i32 = arith.constant 0 : i32
    %c0_i32_0 = arith.constant 0 : i32
    %c0_i32_1 = arith.constant 0 : i32
    return %c0_i32, %c0_i32_0 : i32, i32
  }
  func.func @transform_17(%arg0: i32) -> (i32, i32) {
    %c0_i32 = arith.constant 0 : i32
    %c0_i32_0 = arith.constant 0 : i32
    %c0_i32_1 = arith.constant 0 : i32
    return %c0_i32, %c0_i32_0 : i32, i32
  }
  func.func @transform_18(%arg0: i32) -> (i32, i32) {
    %c0_i32 = arith.constant 0 : i32
    %c0_i32_0 = arith.constant 0 : i32
    %c0_i32_1 = arith.constant 0 : i32
    return %c0_i32, %c0_i32_0 : i32, i32
  }
  func.func @transform_19(%arg0: i32) -> (i32, i32) {
    %c0_i32 = arith.constant 0 : i32
    %c0_i32_0 = arith.constant 0 : i32
    return %arg0, %c0_i32 : i32, i32
  }
}

</mosaic_0001>

<sc_bundles>
// kernel: kernel.6.cloned.1.call-start
scs
__scs_entry_jumppad:
0x0: {  	(pc) =	sbr.rel $0x88, $3  }
0x1: {  	(tag) =	ssettag $0x0;
	lr =	simm.s32 $0x1  }
0x2: {  	[smem:$0x3F90] =	sst lr;
	_ =	strace $0xD0000000  }
0x3: {  	_ = 	snop  }
0x4: {  	_ = 	snop  }
0x5: {  	_ = 	snop  }
0x6: {  	_ = 	snop  }
0x7: {  	_ = 	snop  }
__scs_overlays_trampoline_lowered:
0x8: {  	[smem:$0x3F9F] =	sst s0  }
0x9: {  	[smem:$0x3FA0] =	sst s1  }
0xa: {  	[smem:$0x3FA1] =	sst s2  }
0xb: {  	[smem:$0x3FA2] =	sst s3  }
0xc: {  	[smem:$0x3FA3] =	sst s4  }
0xd: {  	[smem:$0x3FA4] =	sst s5  }
0xe: {  	[smem:$0x3FA5] =	sst s6  }
0xf: {  	[smem:$0x3FA6] =	sst s7  }
0x10: {  	[smem:$0x3FA7] =	sst s8  }
0x11: {  	[smem:$0x3FA8] =	sst s9;
	s0 =	simm.s32 @!p0 $0x0  }
0x12: {  	s1 =	sld [smem:$0x3F8E];
	s0 =	simm.s32 @p0 $0x1  }
0x13: {  	[smem:$0x3FA9] =	sst s0;
	s0 =	simm.s32 @!p1 $0x0  }
0x14: {  	s2 =	sld [smem:$0x3F8D];
	s0 =	simm.s32 @p1 $0x1  }
0x15: {  	[smem:$0x3FAA] =	sst s0;
	s0 =	simm.s32 @!p2 $0x0  }
0x16: {  	s3 =	sld [smem:$0x3FDB];
	s0 =	simm.s32 @p2 $0x1  }
0x17: {  	s4 =	simm.s32 $0x1BF5;
	[smem:$0x3FAC] =	sst s0  }
0x18: {  	s0 =	sld [smem:$0x3F8F];
	_ =	swait.ge [sflag:s4], $0x0  }
0x19: {  	s7 =	sld [smem:$0x3F90]  }
0x1a: {  	s8 =	sadd.s32 $0xFFFFE003, lr  }
0x1b: {  	s9 =	sadd.s32 $0xFFFFFEF7, lr;
	s5 =	simm.s32 $0xFFFFFFFF;
	p2 =	slt.u32 s8, $0xFFFFF086  }
0x1c: {  	p1 =	slt.u32 s9, $0xF7A;
	s5 =	simm.s32 @!p2 $0x0  }
0x1d: {  	s5 =	simm.s32 @p1 $0x1;
	p0 =	seq.s32 s7, s2  }
0x1e: {  	s7 =	smul.u32 @!p0 $0xF7A, s2;
	p2 =	seq.s32 @!p0 s5, $0x0  }
0x1f: {  	s9 =	smul.u32 $0xF7A, s1;
	s8 =	simm.s32 @!p0 $0x1BF5;
	p2 =	por !p2, p0  }
0x20: {  	[sflag:s8] =	ssyncset.s32 @!p0 $0xFFFFF086;
	s6 =	sadd.s32 @!p0 s3, s7;
	s7 =	simm.s32 @!p0 $0x108  }
0x21: {  	s3 =	sadd.s32 s3, s9;
	s6 =	sadd.s32 @!p0 $0x88, s6;
	s7 =	simm.s32 @p2 $0x1082  }
0x22: {  	[simem:s7], [sflag:s8] =	dma.local @!p0 [hbm:s6], $0xF7A  }
0x23: {  	s9 =	sor.u32 $0xD0000000, s2;
	s6 =	simm.s32 $0x108;
	_ =	swait.ge @!p0 [sflag:s8], $0x0  }
0x24: {  	s3 =	sadd.s32 $0x88, s3;
	s6 =	simm.s32 @!p1 $0x1082;
	[sflag:s4] =	ssyncset.s32 $0xFFFFF086  }
0x25: {  	[simem:s6], [sflag:s4] =	dma.local [hbm:s3], $0xF7A  }
0x26: {  	[smem:$0x3F90] =	sst s1;
	(tag) =	ssettag s2;
	_ =	strace s9  }
0x27: {  	s1 =	sld [smem:$0x3FA0]  }
0x28: {  	s2 =	sld [smem:$0x3FA1]  }
0x29: {  	s4 =	sld [smem:$0x3FA3]  }
0x2a: {  	p0 =	seq.s32 s5, $0x0;
	s5 =	sld [smem:$0x3FA4]  }
0x2b: {  	s6 =	sld [smem:$0x3FA5]  }
0x2c: {  	s7 =	sld [smem:$0x3FA6]  }
0x2d: {  	s3 =	simm.s32 $0x108;
	s8 =	sld [smem:$0x3FA7]  }
0x2e: {  	s3 =	simm.s32 @!p0 $0x1082;
	s9 =	sld [smem:$0x3FA8]  }
0x2f: {  	lr =	sadd.s32 s0, s3;
	s0 =	sld [smem:$0x3F9F]  }
0x30: {  	s3 =	sld [smem:$0x3FA2]  }
0x31: {  	[smem:$0x3FAB] =	sst s10  }
0x32: {  	s10 =	sld [smem:$0x3FA9];
	_ =	sdelay $0x3  }
0x33: {  	p0 =	seq.s32 s10, $0x1;
	s10 =	sld [smem:$0x3FAB];
	_ =	sdelay $0x3  }
0x34: {  	[smem:$0x3FAB] =	sst s10  }
0x35: {  	s10 =	sld [smem:$0x3FAA];
	_ =	sdelay $0x3  }
0x36: {  	p1 =	seq.s32 s10, $0x1;
	s10 =	sld [smem:$0x3FAB];
	_ =	sdelay $0x3  }
0x37: {  	[smem:$0x3FAB] =	sst s10  }
0x38: {  	s10 =	sld [smem:$0x3FAC]  }
0x39: {  	_ = 	snop;
	(pc) =	sbr.ind lr, $3  }
0x3a: {  	_ = 	snop  }
0x3b: {  	_ = 	snop  }
0x3c: {  	p2 =	seq.s32 s10, $0x1;
	s10 =	sld [smem:$0x3FAB]  }
0x3d: {  	_ =	shalt  }
0x3e: {  	_ =	shalt  }
0x3f: {  	_ =	shalt  }
0x40: {  	_ =	shalt  }
0x41: {  	_ =	shalt  }
0x42: {  	_ =	shalt  }
0x43: {  	_ =	shalt  }
0x44: {  	_ =	shalt  }
0x45: {  	_ =	shalt  }
0x46: {  	_ =	shalt  }
0x47: {  	_ =	shalt  }
0x48: {  	_ =	shalt  }
0x49: {  	_ =	shalt  }
0x4a: {  	_ =	shalt  }
0x4b: {  	_ =	shalt  }
0x4c: {  	_ =	shalt  }
0x4d: {  	_ =	shalt  }
0x4e: {  	_ =	shalt  }
0x4f: {  	_ =	shalt  }
0x50: {  	_ =	shalt  }
0x51: {  	_ =	shalt  }
0x52: {  	_ =	shalt  }
0x53: {  	_ =	shalt  }
0x54: {  	_ =	shalt  }
0x55: {  	_ =	shalt  }
0x56: {  	_ =	shalt  }
0x57: {  	_ =	shalt  }
0x58: {  	_ =	shalt  }
0x59: {  	_ =	shalt  }
0x5a: {  	_ =	shalt  }
0x5b: {  	_ =	shalt  }
0x5c: {  	_ =	shalt  }
0x5d: {  	_ =	shalt  }
0x5e: {  	_ =	shalt  }
0x5f: {  	_ =	shalt  }
0x60: {  	_ =	shalt  }
0x61: {  	_ =	shalt  }
0x62: {  	_ =	shalt  }
0x63: {  	_ =	shalt  }
0x64: {  	_ =	shalt  }
0x65: {  	_ =	shalt  }
0x66: {  	_ =	shalt  }
0x67: {  	_ =	shalt  }
0x68: {  	_ =	shalt  }
0x69: {  	_ =	shalt  }
0x6a: {  	_ =	shalt  }
0x6b: {  	_ =	shalt  }
0x6c: {  	_ =	shalt  }
0x6d: {  	_ =	shalt  }
0x6e: {  	_ =	shalt  }
0x6f: {  	_ =	shalt  }
0x70: {  	_ =	shalt  }
0x71: {  	_ =	shalt  }
0x72: {  	_ =	shalt  }
0x73: {  	_ =	shalt  }
0x74: {  	_ =	shalt  }
0x75: {  	_ =	shalt  }
0x76: {  	_ =	shalt  }
0x77: {  	_ =	shalt  }
0x78: {  	_ =	shalt  }
0x79: {  	_ =	shalt  }
0x7a: {  	_ =	shalt  }
0x7b: {  	_ =	shalt  }
0x7c: {  	_ =	shalt  }
0x7d: {  	_ =	shalt  }
0x7e: {  	_ =	shalt  }
0x7f: {  	_ =	shalt  }
0x80: {  	_ =	shalt  }
0x81: {  	_ =	shalt  }
0x82: {  	_ =	shalt  }
0x83: {  	_ =	shalt  }
0x84: {  	_ =	shalt  }
0x85: {  	_ =	shalt  }
0x86: {  	_ =	shalt  }
0x87: {  	_ =	shalt  }
.Lfunc_end0:
.L_simem_size_0:
called_computation_lowered:
.L_overlay_start_0:
0x88: {  	s2 =	sld [smem:$0x3FD9]  }
0x89: {  	s3 =	sld [smem:$0x3FFE];
	_ =	sdelay $0x1  }
0x8a: {  	s1 =	srdreg.scid  }
0x8b: {  	s0 =	sand.u32 $0x1, s1  }
0x8c: {  	s17 =	sshll.u32 s0, $0xA;
	s2 =	sadd.s32 s3, s2  }
0x8d: {  	s2 =	sadd.s32 s2, s17  }
0x8e: {  	[smem:$0x3FB7] =	sst s2  }
0x8f: {  	_ = 	snop  }
0x90: {  	s2 =	sld [smem:$0x3FD0];
	(tm) =	ssettm $0x1  }
0x91: {  	s18 =	sld [smem:$0x3FFB];
	_ =	sdelay $0x3  }
0x92: {  	_ =	strace s18  }
0x93: {  	s3 =	sld [smem:$0x3FFC];
	_ =	sdelay $0x3  }
0x94: {  	_ =	strace s3  }
0x95: {  	s3 =	sld [smem:$0x3FFD];
	_ =	sdelay $0x3  }
0x96: {  	_ =	strace s3  }
0x97: {  	_ =	strace $0x8FFFFFFF  }
0x98: {  	s19 =	sld [smem:$0x3FDB];
	_ =	sdelay $0x1  }
0x99: {  	s4 =	simm.s32 $_scs_section_size  }
0x9a: {  	s5 =	simm.s32 $_size__tile_overlayer_lowered;
	s6 =	simm.s32 $_tile_overlayer_lowered  }
0x9b: {  	s22 =	simm.s32 $0x1BFF;
	s21 =	sshll.u32 s6, $0x1;
	s3 =	sadd.s32 s4, s19  }
0x9c: {  	s7 =	simm.s32 $0x0;
	s20 =	sshll.u32 s5, $0x1;
	s5 =	sadd.s32 s21, s3  }
0x9d: {  	[timem:s7], [sflag:s22] =	dma.local [hbm:s5], s20  }
0x9e: {  	_ =	swait.ge [sflag:s22], s20  }
0x9f: {  	s4 =	ssub.s32 $0x0, s20;
	[sflag:s22] =	ssyncset.done $0x0  }
0xa0: {  	[sflag:s22] =	ssyncadd.s32 s4;
	_ =	sdelay $0x1  }
0xa1: {  	s23 =	simm.s32 $0x1B8B  }
0xa2: {  	_ =	swait.ge [sflag:s23], $0x1  }
0xa3: {  	[sflag:s23] =	ssyncset.done $0x0  }
0xa4: {  	s25 =	simm.s32 $0x1B8E;
	s24 =	sld [smem:$0x3FFE];
	[sflag:s23] =	ssyncadd.s32 $0xFFFFFFFF  }
0xa5: {  	s26 =	simm.s32 $execute0_lowered;
	[smem:$0x3FD2] =	sst s25  }
0xa6: {  	s5 =	sshll.u32 s26, $0x1;
	_ =	strace $0x80000046;
	[dreg:$0x1] =	wrdreg $0xFFFFFFFF  }
0xa7: {  	s28 =	simm.s32 $_size_execute0_lowered;
	s3 =	sadd.s32 s3, s5;
	[dreg:$0x0] =	wrdreg $0x0  }
0xa8: {  	s5 =	sshll.u32 s28, $0x1;
	[dreg:$0x2] =	wrdreg s3  }
0xa9: {  	[dreg:$0x3] =	wrdreg s5  }
0xaa: {  	[dreg:$0x4] =	wrdreg $0xC0  }
0xab: {  	_ =	task [dreg:s7], $0x5FFFF  }
0xac: {  	[dreg:$0x1] =	wrdreg $0xFFFFFFFF  }
0xad: {  	[dreg:$0x0] =	wrdreg $0x60  }
0xae: {  	[dreg:$0x2] =	wrdreg s24  }
0xaf: {  	[dreg:$0x3] =	wrdreg s2  }
0xb0: {  	[dreg:$0x4] =	wrdreg $0x9  }
0xb1: {  	_ =	task.clear_ibuf [dreg:s7], $0x5FFFF;
	_ =	strace $0x90000046  }
0xb2: {  	s29 =	simm.s32 $0x9;
	_ =	strace $0x80000048  }
0xb3: {  	_ =	swait.ge [sflag:s29], $0x1  }
0xb4: {  	[sflag:s29] =	ssyncadd.s32 $0xFFFFFFFF  }
0xb5: {  	_ =	strace $0x90000048  }
0xb6: {  	_ =	sfence  }
0xb7: {  	s30 =	sld [smem:$0x0];
	_ =	sdelay $0x2  }
0xb8: {  	s31 =	sshll.u32 s1, $0xD;
	s1 =	sshrl.u32 s1, $0x2  }
0xb9: {  	s3 =	sand.u32 $0x4000, s31;
	s1 =	sadd.s32 s1, s30  }
0xba: {  	s0 =	sor.u32 s3, s0;
	s1 =	sshll.u32 s1, $0x11  }
0xbb: {  	s0 =	sor.u32 s1, s0  }
0xbc: {  	s0 =	sadd.s32 $0x8F2B, s0  }
0xbd: {  	[sflag:s0] =	ssyncadd.remote.s32 $0x1  }
0xbe: {  	_ =	sfence.sel $0xFFFF  }
0xbf: {  	[dreg:$0x0] =	wrdreg $0xFFFFFFFF;
	(pc) =	sbr.abs _section_cstart, $3  }
0xc0: {  	[dreg:$0x1] =	wrdreg $0xFFFFFFFF  }
0xc1: {  	_ =	task.clear_ibuf [dreg:s7], $0x2FFFF;
	_ =	strace $0x9FFFFFFF  }
0xc2: {  	(tm) =	ssettm $0x7FFFFFFF  }
0xc3: {  	_ =	shalt  }
tec
execute0_lowered:
.L_overlay_start_1:
0x0: {  	(tag) =	ssettag $0x1  }
0x1: {  	s0 =	srdreg.scid  }
0x2: {  	s14 =	stileid.u32;
	s3 =	rddreg [dreg:$0x0]  }
0x3: {  	s4 =	rddreg [dreg:$0x1];
	s2 =	simm.s32 $0x0;
	s15 =	simm.s32 $0x2460  }
0x4: {  	s30 =	simm.s32 $0x3060;
	s28 =	simm.s32 $0x20;
	s29 =	simm.s32 $0x0  }
0x5: {  	s0 =	sand.u32 $0x1, s0;
	s1 =	sshll.u32 s14, $0x1;
	[smem:$0x7FF] =	sst s2  }
0x6: {  	s6 =	sadd.s32 $0x18000, s3;
	s17 =	sadd.s32 $0xE200, s3;
	s10 =	smul.u32 $0xC0, s14  }
0x7: {  	s18 =	sadd.s32 $0x4400, s3;
	s7 =	sadd.s32 $0x21E00, s3;
	s26 =	smul.u32 $0x18000, s14  }
0x8: {  	s1 =	sor.u32 s0, s1;
	_ =	strace $0x80000047;
	s13 =	smul.u32 $0x60, s0  }
0x9: {  	[dreg:$0x3] =	wrdreg s6;
	s9 =	ssub.s32 $0x2, s0;
	s0 =	smul.u32 $0xC000, s0  }
0xa: {  	s11 =	sadd.s32 $0x24F200, s3;
	[dreg:$0x4] =	wrdreg s17;
	s5 =	smul.u32 $0x60, s1  }
0xb: {  	s14 =	simm.s32 $0xC60;
	[dreg:$0x5] =	wrdreg s18;
	s8 =	smul.u32 $0x180, s1  }
0xc: {  	s6 =	sadd.s32 $0x221E00, s3;
	s12 =	sshrl.u32 s9, $0x1;
	s1 =	smul.u32 $0x600, s1  }
0xd: {  	s9 =	ssub.s32 s9, s12;
	s20 =	sadd.s32 s13, s10;
	s13 =	simm.s32 $0x60  }
0xe: {  	s10 =	simm.s32 $0x10060;
	s12 =	simm.s32 $0xB060;
	s5 =	sshrl.u32 s5, $0x3  }
0xf: {  	s8 =	sadd.s32 s8, s3;
	s1 =	sadd.s32 s4, s1;
	s21 =	sshll.u32 s20, $0x9  }
0x10: {  	s22 =	smax.u32 s9, $0x1;
	s4 =	simm.s32 $0x9060;
	s9 =	simm.s32 $0xA060  }
0x11: {  	s5 =	sadd.s32 s5, s3;
	s3 =	sadd.s32 $0x3CF200, s3;
	[dreg:$0x9] =	wrdreg s1  }
0x12: {  	s19 =	sadd.s32 $0x249200, s8;
	s8 =	sadd.s32 $0x24C200, s8;
	[dreg:$0xa] =	wrdreg s22  }
0x13: {  	s23 =	sadd.s32 s21, s11;
	s24 =	sor.u32 $0x400, s21;
	[dreg:$0x7] =	wrdreg s19  }
0x14: {  	s1 =	sor.u32 $0x800, s21;
	s22 =	simm.s32 $0x5;
	[dreg:$0x8] =	wrdreg s8  }
0x15: {  	s5 =	sadd.s32 $0x249000, s5;
	[dreg:$0xb] =	wrdreg s23;
	s25 =	sadd.s32 s24, s11  }
0x16: {  	s16 =	sadd.s32 s24, s3;
	s17 =	sadd.s32 s1, s11;
	s31 =	sadd.s32 s26, s3  }
0x17: {  	s18 =	sadd.s32 s1, s3;
	s8 =	simm.s32 $0x1;
	s23 =	simm.s32 $0x11060  }
.Ltmp0:
0x18: {  	s24 =	simm.s32 $0x3;
	[dreg:$0x6] =	wrdreg s5;
	(pc) =	sbr.rel .LBB2_1-.Ltmp0, $4  }
0x19: {  	s5 =	sadd.s32 s21, s3;
	[dreg:$0xd] =	wrdreg s25;
	s19 =	sadd.s32 s0, s31  }
0x1a: {  	s3 =	simm.s32 $0xE;
	s25 =	simm.s32 $0x4;
	s21 =	simm.s32 $0x6  }
0x1b: {  	[dreg:$0xc] =	wrdreg s5;
	s5 =	sadd.s32 s26, s11;
	s11 =	simm.s32 $0x2  }
0x1c: {  	s26 =	simm.s32 $0xA;
	s20 =	sadd.s32 s0, s5;
	s5 =	simm.s32 $0xF060  }
.LBB2_6:
0x1d: {  	s0 =	simm.s32 $0x7  }
0x1e: {  	_ =	swait.ge [sflag:s0], $0x1000  }
0x1f: {  	[sflag:s0] =	ssyncset.done $0x0  }
0x20: {  	[sflag:s0] =	ssyncadd.s32 $0xFFFFF000  }
0x21: {  	_ =	swait.ge [sflag:s0], $0x1000  }
0x22: {  	[sflag:s0] =	ssyncset.done $0x0  }
0x23: {  	s13 =	simm.s32 $0x8;
	[sflag:s0] =	ssyncadd.s32 $0xFFFFF000  }
0x24: {  	_ =	swait.ge [sflag:s13], $0x1000  }
0x25: {  	[sflag:s13] =	ssyncset.done $0x0  }
0x26: {  	[sflag:s13] =	ssyncadd.s32 $0xFFFFF000  }
0x27: {  	_ =	swait.ge [sflag:s13], $0x1000  }
0x28: {  	[sflag:s13] =	ssyncset.done $0x0  }
0x29: {  	s14 =	simm.s32 $0x9;
	[sflag:s13] =	ssyncadd.s32 $0xFFFFF000  }
0x2a: {  	_ =	swait.ge [sflag:s14], $0x1000  }
0x2b: {  	[sflag:s14] =	ssyncset.done $0x0  }
0x2c: {  	[sflag:s14] =	ssyncadd.s32 $0xFFFFF000  }
0x2d: {  	_ =	swait.ge [sflag:s14], $0x1000  }
0x2e: {  	[sflag:s14] =	ssyncset.done $0x0  }
0x2f: {  	[sflag:s14] =	ssyncadd.s32 $0xFFFFF000  }
0x30: {  	_ =	swait.ge [sflag:s26], $0x1000  }
0x31: {  	[sflag:s26] =	ssyncset.done $0x0  }
0x32: {  	[sflag:s26] =	ssyncadd.s32 $0xFFFFF000  }
0x33: {  	_ =	swait.ge [sflag:s26], $0x1000  }
0x34: {  	[sflag:s26] =	ssyncset.done $0x0  }
0x35: {  	s15 =	simm.s32 $0xB;
	[sflag:s26] =	ssyncadd.s32 $0xFFFFF000  }
0x36: {  	_ =	swait.ge [sflag:s15], $0x1000  }
0x37: {  	[sflag:s15] =	ssyncset.done $0x0  }
0x38: {  	[sflag:s15] =	ssyncadd.s32 $0xFFFFF000  }
0x39: {  	_ =	swait.ge [sflag:s15], $0x1000  }
0x3a: {  	[sflag:s15] =	ssyncset.done $0x0  }
0x3b: {  	s1 =	simm.s32 $0xC;
	[sflag:s15] =	ssyncadd.s32 $0xFFFFF000  }
0x3c: {  	_ =	swait.ge [sflag:s1], $0x1000  }
0x3d: {  	[sflag:s1] =	ssyncset.done $0x0  }
0x3e: {  	[sflag:s1] =	ssyncadd.s32 $0xFFFFF000  }
0x3f: {  	_ =	swait.ge [sflag:s1], $0x1000  }
0x40: {  	s29 =	rddreg [dreg:$0xe]  }
0x41: {  	s31 =	rddreg [dreg:$0xa];
	s29 =	sadd.s32 $0x1, s29  }
0x42: {  	p0 =	sne.s32 s29, s31  }
.Ltmp1:
0x43: {  	_ = 	snop;
	(pc) =	sbr.rel @!p0 .LBB2_7-.Ltmp1, $4  }
0x44: {  	_ = 	snop  }
0x45: {  	s3 =	simm.s32 $0xE  }
0x46: {  	s30 =	simm.s32 $0x3060;
	s13 =	simm.s32 $0x60;
	[sflag:s1] =	ssyncset.done $0x0  }
0x47: {  	s14 =	simm.s32 $0xC60;
	s15 =	simm.s32 $0x2460;
	[sflag:s1] =	ssyncadd.s32 $0xFFFFF000  }
.LBB2_1:
0x48: {  	[dreg:$0xe] =	wrdreg s29  }
0x49: {  	s0 =	rddreg [dreg:$0x6]  }
0x4a: {  	[tilespmem:s2], [sflag:$0xE] =	stream.linear.gather [hbm4b:s0+s2], $0x60, $0x38;
	[tilespmem:$0x12060] =	vst v63  }
0x4b: {  	_ =	swait.ge [sflag:s3], $0x60  }
0x4c: {  	[sflag:s3] =	ssyncset.done $0x0  }
0x4d: {  	s31 =	rddreg [dreg:$0x3];
	[sflag:s3] =	ssyncadd.s32 $0xFFFFFFA0  }
0x4e: {  	[tilespmem:s13], [sflag:$0xD] =	stream.indirect.gather [hbm4b:s31+s13], $0x20, s2, s13, $0xb8;
	[tilespmem:$0x12060] =	vst v63  }
0x4f: {  	s1 =	rddreg [dreg:$0x4]  }
0x50: {  	[tilespmem:s14], [sflag:$0xD] =	stream.indirect.gather [hbm4b:s1+s13], $0x20, s2, s13, $0xb8;
	[tilespmem:$0x12060] =	vst v63  }
0x51: {  	s29 =	rddreg [dreg:$0x5]  }
0x52: {  	[tilespmem:s15], [sflag:$0xD] =	stream.indirect.gather [hbm4b:s29+s13], $0x20, s2, s13, $0xb8;
	[tilespmem:$0x12060] =	vst v63  }
0x53: {  	s31 =	simm.s32 $0xD  }
0x54: {  	[tilespmem:s30], [sflag:$0xD] =	stream.indirect.gather [hbm4b:s6+s13], $0x80, s2, s13, $0xb8;
	[tilespmem:$0x12060] =	vst v63  }
0x55: {  	_ =	swait.ge [sflag:s31], $0xC00  }
0x56: {  	[sflag:s31] =	ssyncset.done $0x0  }
0x57: {  	[sflag:s31] =	ssyncadd.s32 $0xFFFFF400  }
0x58: {  	_ =	swait.ge [sflag:s31], $0xC00  }
0x59: {  	[sflag:s31] =	ssyncset.done $0x0  }
0x5a: {  	[sflag:s31] =	ssyncadd.s32 $0xFFFFF400  }
0x5b: {  	_ =	swait.ge [sflag:s31], $0xC00  }
0x5c: {  	[sflag:s31] =	ssyncset.done $0x0  }
0x5d: {  	[sflag:s31] =	ssyncadd.s32 $0xFFFFF400  }
0x5e: {  	_ =	swait.ge [sflag:s31], $0x3000  }
0x5f: {  	[sflag:s31] =	ssyncset.done $0x0  }
0x60: {  	s0 =	simm.s32 $0x0;
	[sflag:s31] =	ssyncadd.s32 $0xFFFFD000  }
0x61: {  	v0 =	vld [tilespmem:s0+$0xC70]  }
0x62: {  	s1 =	simm.s32 $0x80;
	v1 =	vld [tilespmem:s0+$0xC60]  }
.LBB2_2:
0x63: {  	p0 =	sne.s32 s1, $0x2F80  }
.Ltmp2:
0x64: {  	_ = 	snop;
	(pc) =	sbr.rel @p0 .LBB2_2-.Ltmp2, $4  }
0x65: {  	_ = 	snop  }
0x66: {  	s29 =	sshra.s32 s1, $0x2;
	s1 =	sadd.s32 $0x80, s1;
	v2 =	vand.u32 $0x1FFFF, v0  }
0x67: {  	v0 =	vld [tilespmem:s29+$0xC70];
	v3 =	vand.u32 $0x1FFFF, v1;
	[tilespmem:s0+$0x1870] =	vst v2  }
0x68: {  	v1 =	vld [tilespmem:s29+$0xC60];
	[tilespmem:s0+$0x1860] =	vst v3;
	s0 =	smov.u32 s29  }
0x69: {  	_ =	sdelay $0x2  }
0x6a: {  	v0 =	vand.u32 $0x1FFFF, v0  }
0x6b: {  	v1 =	vand.u32 $0x1FFFF, v1;
	[tilespmem:s0+$0x1870] =	vst v0  }
0x6c: {  	s29 =	simm.s32 $0x0;
	s1 =	rddreg [dreg:$0x7];
	[tilespmem:s0+$0x1860] =	vst v1  }
0x6d: {  	[hbm4b:s1+s29] =	stream.linear.scatter [tilespmem:s15], [sflag:$0xE], $0xC00, $0x38;
	[tilespmem:$0x12060] =	vst v63  }
0x6e: {  	_ =	swait.ge [sflag:s3], $0xC00  }
0x6f: {  	[sflag:s3] =	ssyncset.done $0x0  }
0x70: {  	s1 =	rddreg [dreg:$0x8];
	[sflag:s3] =	ssyncadd.s32 $0xFFFFF400  }
0x71: {  	[hbm4b:s1+s29] =	stream.linear.scatter [tilespmem:s14], [sflag:$0xE], $0xC00, $0x38;
	[tilespmem:$0x12060] =	vst v63  }
0x72: {  	_ =	swait.ge [sflag:s3], $0xC00  }
0x73: {  	[sflag:s3] =	ssyncset.done $0x0  }
0x74: {  	s15 =	rddreg [dreg:$0x9];
	[sflag:s3] =	ssyncadd.s32 $0xFFFFF400  }
0x75: {  	[hbm4b:s15+s29] =	stream.linear.scatter [tilespmem:s30], [sflag:$0xE], $0x3000, $0x38;
	[tilespmem:$0x12060] =	vst v63  }
0x76: {  	_ =	swait.ge [sflag:s3], $0x3000  }
0x77: {  	[sflag:s3] =	ssyncset.done $0x0  }
0x78: {  	s1 =	simm.s32 $0x6060;
	[sflag:s3] =	ssyncadd.s32 $0xFFFFD000  }
0x79: {  	[tilespmem:s1], [sflag:$0x1] =	stream.indirect.gather [hbm4b:s6+s28], $0x80, s13, s28, $0xb8;
	[tilespmem:$0x12060] =	vst v63  }
0x7a: {  	s3 =	simm.s32 $0x1860;
	s1 =	simm.s32 $0xC060  }
0x7b: {  	[tilespmem:s1], [sflag:$0x1] =	stream.indirect.gather [hbm4b:s7+s28], $0x80, s3, s28, $0xb8;
	[tilespmem:$0x12060] =	vst v63  }
0x7c: {  	s14 =	simm.s32 $0x7060;
	s13 =	simm.s32 $0x80  }
0x7d: {  	[tilespmem:s14], [sflag:$0x2] =	stream.indirect.gather [hbm4b:s6+s28], $0x80, s13, s28, $0xb8;
	[tilespmem:$0x12060] =	vst v63  }
0x7e: {  	s15 =	simm.s32 $0x1880;
	s30 =	simm.s32 $0xD060  }
0x7f: {  	[tilespmem:s30], [sflag:$0x2] =	stream.indirect.gather [hbm4b:s7+s28], $0x80, s15, s28, $0xb8;
	[tilespmem:$0x12060] =	vst v63  }
0x80: {  	s1 =	simm.s32 $0xA0;
	s3 =	simm.s32 $0x8060  }
0x81: {  	[tilespmem:s3], [sflag:$0x3] =	stream.indirect.gather [hbm4b:s6+s28], $0x80, s1, s28, $0xb8;
	[tilespmem:$0x12060] =	vst v63  }
0x82: {  	s13 =	simm.s32 $0x18A0;
	s14 =	simm.s32 $0xE060  }
0x83: {  	[tilespmem:s14], [sflag:$0x3] =	stream.indirect.gather [hbm4b:s7+s28], $0x80, s13, s28, $0xb8;
	[tilespmem:$0x12060] =	vst v63  }
0x84: {  	s15 =	simm.s32 $0xC0  }
0x85: {  	[tilespmem:s4], [sflag:$0x4] =	stream.indirect.gather [hbm4b:s6+s28], $0x80, s15, s28, $0xb8;
	[tilespmem:$0x12060] =	vst v63  }
0x86: {  	s31 =	simm.s32 $0x0;
	s30 =	simm.s32 $0x18C0  }
0x87: {  	[tilespmem:s5], [sflag:$0x4] =	stream.indirect.gather [hbm4b:s7+s28], $0x80, s30, s28, $0xb8;
	[tilespmem:$0x12060] =	vst v63  }
.LBB2_4:
0x88: {  	_ =	swait.ge [sflag:s8], $0x1000  }
0x89: {  	[sflag:s8] =	ssyncset.done $0x0  }
0x8a: {  	[sflag:s8] =	ssyncadd.s32 $0xFFFFF000  }
0x8b: {  	_ =	swait.ge [sflag:s8], $0x1000  }
0x8c: {  	s0 =	sadd.s32 s29, s20;
	[sflag:s8] =	ssyncset.done $0x0  }
0x8d: {  	s1 =	simm.s32 $0x6060;
	p0 =	seq.s32 s31, $0x0;
	[sflag:s8] =	ssyncadd.s32 $0xFFFFF000  }
0x8e: {  	[hbm4b:s0+s2] =	stream.linear.scatter [tilespmem:s1], [sflag:$0x7], $0x1000, $0x38;
	[tilespmem:$0x12060] =	vst v63  }
0x8f: {  	s14 =	sadd.s32 s29, s19;
	s15 =	simm.s32 $0xC060;
	s1 =	simm.s32 @!p0 $0xB  }
0x90: {  	[hbm4b:s14+s2] =	stream.linear.scatter [tilespmem:s15], [sflag:$0x7], $0x1000, $0x38;
	[tilespmem:$0x12060] =	vst v63  }
0x91: {  	_ =	swait.ge @!p0 [sflag:s1], $0x1000  }
0x92: {  	[sflag:s1] =	ssyncset.done @!p0 $0x0  }
0x93: {  	[sflag:s1] =	ssyncadd.s32 @!p0 $0xFFFFF000  }
0x94: {  	_ =	swait.ge @!p0 [sflag:s1], $0x1000  }
0x95: {  	s0 =	sshra.s32 s31, $0x2;
	[sflag:s1] =	ssyncset.done @!p0 $0x0  }
0x96: {  	s30 =	sadd.s32 $0xE0, s0;
	[sflag:s1] =	ssyncadd.s32 @!p0 $0xFFFFF000  }
0x97: {  	[tilespmem:s9], [sflag:$0x5] =	stream.indirect.gather [hbm4b:s6+s28], $0x80, s30, s28, $0xb8;
	[tilespmem:$0x12060] =	vst v63  }
0x98: {  	s3 =	sadd.s32 $0x18E0, s0  }
0x99: {  	[tilespmem:s10], [sflag:$0x5] =	stream.indirect.gather [hbm4b:s7+s28], $0x80, s3, s28, $0xb8;
	[tilespmem:$0x12060] =	vst v63  }
0x9a: {  	_ =	swait.ge [sflag:s11], $0x1000  }
0x9b: {  	[sflag:s11] =	ssyncset.done $0x0  }
0x9c: {  	[sflag:s11] =	ssyncadd.s32 $0xFFFFF000  }
0x9d: {  	_ =	swait.ge [sflag:s11], $0x1000  }
0x9e: {  	s13 =	rddreg [dreg:$0xb]  }
0x9f: {  	s3 =	simm.s32 $0x7060;
	[sflag:s11] =	ssyncset.done $0x0;
	s1 =	sadd.s32 s29, s13  }
0xa0: {  	s14 =	rddreg [dreg:$0xc];
	[sflag:s11] =	ssyncadd.s32 $0xFFFFF000;
	s30 =	sadd.s32 $0x200, s1  }
0xa1: {  	[hbm4b:s30+s2] =	stream.linear.scatter [tilespmem:s3], [sflag:$0x8], $0x1000, $0x38;
	[tilespmem:$0x12060] =	vst v63  }
0xa2: {  	s30 =	sadd.s32 s29, s14  }
0xa3: {  	s13 =	simm.s32 $0xD060;
	s3 =	sadd.s32 $0x200, s30  }
0xa4: {  	[hbm4b:s3+s2] =	stream.linear.scatter [tilespmem:s13], [sflag:$0x8], $0x1000, $0x38;
	[tilespmem:$0x12060] =	vst v63  }
0xa5: {  	s3 =	simm.s32 @!p0 $0xC  }
0xa6: {  	_ =	swait.ge @!p0 [sflag:s3], $0x1000  }
0xa7: {  	[sflag:s3] =	ssyncset.done @!p0 $0x0  }
0xa8: {  	[sflag:s3] =	ssyncadd.s32 @!p0 $0xFFFFF000  }
0xa9: {  	_ =	swait.ge @!p0 [sflag:s3], $0x1000  }
0xaa: {  	[sflag:s3] =	ssyncset.done @!p0 $0x0  }
0xab: {  	s15 =	sadd.s32 $0x100, s0;
	[sflag:s3] =	ssyncadd.s32 @!p0 $0xFFFFF000  }
0xac: {  	[tilespmem:s12], [sflag:$0x6] =	stream.indirect.gather [hbm4b:s6+s28], $0x80, s15, s28, $0xb8;
	[tilespmem:$0x12060] =	vst v63  }
0xad: {  	s13 =	sadd.s32 $0x1900, s0  }
0xae: {  	[tilespmem:s23], [sflag:$0x6] =	stream.indirect.gather [hbm4b:s7+s28], $0x80, s13, s28, $0xb8;
	[tilespmem:$0x12060] =	vst v63  }
0xaf: {  	_ =	swait.ge [sflag:s24], $0x1000  }
0xb0: {  	[sflag:s24] =	ssyncset.done $0x0  }
0xb1: {  	[sflag:s24] =	ssyncadd.s32 $0xFFFFF000  }
0xb2: {  	_ =	swait.ge [sflag:s24], $0x1000  }
0xb3: {  	p0 =	seq.s32 s31, $0x2D00;
	[sflag:s24] =	ssyncset.done $0x0;
	s14 =	rddreg [dreg:$0xd]  }
0xb4: {  	s15 =	simm.s32 $0x8060;
	[sflag:s24] =	ssyncadd.s32 $0xFFFFF000;
	s3 =	sadd.s32 s29, s14  }
0xb5: {  	[hbm4b:s3+s2] =	stream.linear.scatter [tilespmem:s15], [sflag:$0x9], $0x1000, $0x38;
	[tilespmem:$0x12060] =	vst v63  }
0xb6: {  	s13 =	sadd.s32 s29, s16;
	s14 =	simm.s32 $0xE060;
	s3 =	simm.s32 @!p0 $0x7  }
0xb7: {  	[hbm4b:s13+s2] =	stream.linear.scatter [tilespmem:s14], [sflag:$0x9], $0x1000, $0x38;
	[tilespmem:$0x12060] =	vst v63  }
0xb8: {  	_ =	swait.ge @!p0 [sflag:s3], $0x1000  }
0xb9: {  	[sflag:s3] =	ssyncset.done @!p0 $0x0  }
0xba: {  	[sflag:s3] =	ssyncadd.s32 @!p0 $0xFFFFF000  }
0xbb: {  	_ =	swait.ge @!p0 [sflag:s3], $0x1000  }
0xbc: {  	[sflag:s3] =	ssyncset.done @!p0 $0x0  }
0xbd: {  	[sflag:s3] =	ssyncadd.s32 @!p0 $0xFFFFF000;
	s3 =	sshra.s32 @!p0 s31, $0x2  }
0xbe: {  	s15 =	simm.s32 @!p0 $0x6060;
	s14 =	simm.s32 @!p0 $0x20;
	s13 =	sadd.s32 @!p0 $0x120, s3  }
0xbf: {  	[tilespmem:s15], [sflag:$0x1] =	stream.indirect.gather @!p0 [hbm4b:s6+s14], $0x80, s13, s14, $0xb8;
	[tilespmem:$0x12060] =	vst v63  }
0xc0: {  	s13 =	sadd.s32 @!p0 $0x1920, s3;
	s15 =	simm.s32 @!p0 $0xC060  }
0xc1: {  	[tilespmem:s15], [sflag:$0x1] =	stream.indirect.gather @!p0 [hbm4b:s7+s14], $0x80, s13, s14, $0xb8;
	[tilespmem:$0x12060] =	vst v63  }
0xc2: {  	_ =	swait.ge [sflag:s25], $0x1000  }
0xc3: {  	[sflag:s25] =	ssyncset.done $0x0  }
0xc4: {  	[sflag:s25] =	ssyncadd.s32 $0xFFFFF000  }
0xc5: {  	_ =	swait.ge [sflag:s25], $0x1000  }
0xc6: {  	[sflag:s25] =	ssyncset.done $0x0  }
0xc7: {  	s15 =	sadd.s32 $0x600, s1;
	[sflag:s25] =	ssyncadd.s32 $0xFFFFF000  }
0xc8: {  	[hbm4b:s15+s2] =	stream.linear.scatter [tilespmem:s4], [sflag:$0xA], $0x1000, $0x38;
	[tilespmem:$0x12060] =	vst v63  }
0xc9: {  	s13 =	simm.s32 @!p0 $0x8;
	s15 =	sadd.s32 $0x600, s30  }
0xca: {  	[hbm4b:s15+s2] =	stream.linear.scatter [tilespmem:s5], [sflag:$0xA], $0x1000, $0x38;
	[tilespmem:$0x12060] =	vst v63  }
0xcb: {  	_ =	swait.ge @!p0 [sflag:s13], $0x1000  }
0xcc: {  	[sflag:s13] =	ssyncset.done @!p0 $0x0  }
0xcd: {  	[sflag:s13] =	ssyncadd.s32 @!p0 $0xFFFFF000  }
0xce: {  	_ =	swait.ge @!p0 [sflag:s13], $0x1000  }
0xcf: {  	[sflag:s13] =	ssyncset.done @!p0 $0x0  }
0xd0: {  	s15 =	simm.s32 @!p0 $0x7060;
	[sflag:s13] =	ssyncadd.s32 @!p0 $0xFFFFF000;
	s13 =	sadd.s32 @!p0 $0x140, s3  }
0xd1: {  	[tilespmem:s15], [sflag:$0x2] =	stream.indirect.gather @!p0 [hbm4b:s6+s14], $0x80, s13, s14, $0xb8;
	[tilespmem:$0x12060] =	vst v63  }
0xd2: {  	s13 =	sadd.s32 @!p0 $0x1940, s3;
	s15 =	simm.s32 @!p0 $0xD060  }
0xd3: {  	[tilespmem:s15], [sflag:$0x2] =	stream.indirect.gather @!p0 [hbm4b:s7+s14], $0x80, s13, s14, $0xb8;
	[tilespmem:$0x12060] =	vst v63  }
0xd4: {  	_ =	swait.ge [sflag:s22], $0x1000  }
0xd5: {  	[sflag:s22] =	ssyncset.done $0x0  }
0xd6: {  	[sflag:s22] =	ssyncadd.s32 $0xFFFFF000  }
0xd7: {  	_ =	swait.ge [sflag:s22], $0x1000  }
0xd8: {  	[sflag:s22] =	ssyncset.done $0x0  }
0xd9: {  	s15 =	sadd.s32 s29, s17;
	[sflag:s22] =	ssyncadd.s32 $0xFFFFF000  }
0xda: {  	[hbm4b:s15+s2] =	stream.linear.scatter [tilespmem:s9], [sflag:$0xB], $0x1000, $0x38;
	[tilespmem:$0x12060] =	vst v63  }
0xdb: {  	s13 =	simm.s32 @!p0 $0x9;
	s15 =	sadd.s32 s29, s18  }
0xdc: {  	[hbm4b:s15+s2] =	stream.linear.scatter [tilespmem:s10], [sflag:$0xB], $0x1000, $0x38;
	[tilespmem:$0x12060] =	vst v63  }
0xdd: {  	_ =	swait.ge @!p0 [sflag:s13], $0x1000  }
0xde: {  	[sflag:s13] =	ssyncset.done @!p0 $0x0  }
0xdf: {  	[sflag:s13] =	ssyncadd.s32 @!p0 $0xFFFFF000  }
0xe0: {  	_ =	swait.ge @!p0 [sflag:s13], $0x1000  }
0xe1: {  	[sflag:s13] =	ssyncset.done @!p0 $0x0  }
0xe2: {  	s15 =	simm.s32 @!p0 $0x8060;
	[sflag:s13] =	ssyncadd.s32 @!p0 $0xFFFFF000;
	s13 =	sadd.s32 @!p0 $0x160, s3  }
0xe3: {  	[tilespmem:s15], [sflag:$0x3] =	stream.indirect.gather @!p0 [hbm4b:s6+s14], $0x80, s13, s14, $0xb8;
	[tilespmem:$0x12060] =	vst v63  }
0xe4: {  	s3 =	sadd.s32 @!p0 $0x1960, s3;
	s13 =	simm.s32 @!p0 $0xE060  }
0xe5: {  	[tilespmem:s13], [sflag:$0x3] =	stream.indirect.gather @!p0 [hbm4b:s7+s14], $0x80, s3, s14, $0xb8;
	[tilespmem:$0x12060] =	vst v63  }
0xe6: {  	_ =	swait.ge [sflag:s21], $0x1000  }
0xe7: {  	[sflag:s21] =	ssyncset.done $0x0  }
0xe8: {  	[sflag:s21] =	ssyncadd.s32 $0xFFFFF000  }
0xe9: {  	_ =	swait.ge [sflag:s21], $0x1000  }
.Ltmp3:
0xea: {  	[sflag:s21] =	ssyncset.done $0x0;
	(pc) =	sbr.rel @p0 .LBB2_6-.Ltmp3, $4  }
0xeb: {  	s1 =	sadd.s32 $0xA00, s1;
	[sflag:s21] =	ssyncadd.s32 $0xFFFFF000  }
0xec: {  	[hbm4b:s1+s2] =	stream.linear.scatter [tilespmem:s12], [sflag:$0xC], $0x1000, $0x38;
	[tilespmem:$0x12060] =	vst v63  }
0xed: {  	s30 =	sadd.s32 $0xA00, s30  }
0xee: {  	[hbm4b:s30+s2] =	stream.linear.scatter [tilespmem:s23], [sflag:$0xC], $0x1000, $0x38;
	[tilespmem:$0x12060] =	vst v63  }
0xef: {  	_ =	swait.ge [sflag:s26], $0x1000  }
0xf0: {  	[sflag:s26] =	ssyncset.done $0x0  }
0xf1: {  	[sflag:s26] =	ssyncadd.s32 $0xFFFFF000  }
0xf2: {  	_ =	swait.ge [sflag:s26], $0x1000  }
.Ltmp4:
0xf3: {  	[sflag:s26] =	ssyncset.done $0x0;
	(pc) =	sbr.rel .LBB2_4-.Ltmp4, $4  }
0xf4: {  	s1 =	sadd.s32 $0x180, s0;
	[sflag:s26] =	ssyncadd.s32 $0xFFFFF000  }
0xf5: {  	[tilespmem:s4], [sflag:$0x4] =	stream.indirect.gather [hbm4b:s6+s28], $0x80, s1, s28, $0xb8;
	[tilespmem:$0x12060] =	vst v63  }
0xf6: {  	s30 =	sadd.s32 $0x1980, s0;
	s31 =	sadd.s32 $0x300, s31;
	s29 =	sadd.s32 $0xC00, s29  }
0xf7: {  	[tilespmem:s5], [sflag:$0x4] =	stream.indirect.gather [hbm4b:s7+s28], $0x80, s30, s28, $0xb8;
	[tilespmem:$0x12060] =	vst v63  }
.LBB2_7:
0xf8: {  	_ =	sfence.sel $0x180000  }
0xf9: {  	[bflag:$0x0] =	sbarrier.arrive $0xFFFF  }
0xfa: {  	_ =	strace $0x90000047  }
0xfb: {  	s0 =	stileid.u32;
	[bflag:$0x2] =	sbarrier.arrive $0xFFFF  }
0xfc: {  	p0 =	sne.s32 s0, $0x0;
	s0 =	rddreg [dreg:$0x2]  }
0xfd: {  	s0 =	sadd.s32 @!p0 $0x100000, s0  }
0xfe: {  	[sflag:s0] =	ssyncadd.tile.s32 @!p0 $0x1;
	_ =	shalt  }
.Lfunc_end2:
_tile_overlayer_lowered:
.L_overlay_start_2:
0xff: {  	(tag) =	ssettag $0x2  }
0x100: {  	s0 =	rddreg [dreg:$0x0];
	s2 =	stileid.u32  }
0x101: {  	s1 =	rddreg [dreg:$0x1];
	p0 =	sne.s32 s2, $0x0  }
0x102: {  	s3 =	rddreg [dreg:$0x2];
	[bflag:$0x3] =	sbarrier.arrive $0xFFFF;
	s2 =	simm.s32 @!p0 $0x1C0E  }
0x103: {  	[timem:s3], [sflag:s2] =	dma.local @!p0 [hbm:s0], s1  }
0x104: {  	s0 =	simm.s32 @!p0 $0xE  }
0x105: {  	_ =	swait.ge @!p0 [sflag:s0], s1  }
0x106: {  	s1 =	ssub.s32 @!p0 $0x0, s1;
	[sflag:s0] =	ssyncset.done @!p0 $0x0  }
0x107: {  	[sflag:s0] =	ssyncadd.s32 @!p0 s1  }
0x108: {  	[bflag:$0x3] =	sbarrier.arrive $0xFFFF  }
0x109: {  	_ =	shalt  }

</sc_bundles>
